<compile_context>
chip_gen: v7x
topology: tpu7x:2x2x1
jax: 0.10.2.dev20260603
libtpu: 0.0.44.dev20260713+nightly
codegen_flags: <defaults>
</compile_context>

<pallas_src>
import functools
import math

import jax
import jax.numpy as jnp
from jax.experimental import pallas as pl
from jax.experimental.pallas import tpu as pltpu
from jax.experimental.pallas import tpu_sc as plsc

_B = 32
_S = 8
_V = 65536
_H = 2048
_HH = 1024
_THRESH = 0.7
_BEAMS = 3
_R = 16
_NB = _R // _S
_SCB = 4
_TCB = _B - _SCB
_TAIL0 = _TCB * _S
_NTAIL = _SCB * _S
_INV_LOG_V = 1.0 / math.log(float(_V))
_INV_SQRT2 = 0.7071067811865476
_L = 16


def _main_body(lg_ref, hs_ref, w1_ref, b1_ref, w2_ref, b2_ref,
               prim_ref, conf_ref, top3_ref, suma_ref):
    i = pl.program_id(0)
    x = lg_ref[...]
    m = jnp.max(x, axis=1, keepdims=True)
    idx = jax.lax.broadcasted_iota(jnp.int32, (_R, _V), 1)
    t = x - m
    amax = jnp.min(jnp.where(t == 0.0, idx, _V), axis=1, keepdims=True)
    e = jnp.exp(t)
    z = jnp.sum(e, axis=1, keepdims=True)
    s1 = jnp.sum(e * t, axis=1, keepdims=True)
    entropy = jnp.log(z) - s1 / z
    norm_ent = entropy * _INV_LOG_V

    h1 = jax.lax.dot_general(hs_ref[...], w1_ref[...],
                             dimension_numbers=(((1,), (1,)), ((), ())),
                             preferred_element_type=jnp.float32)
    h1 = h1 + b1_ref[...]
    g = 0.5 * h1 * (1.0 + jax.lax.erf(h1 * _INV_SQRT2))
    h2 = jnp.sum(g * w2_ref[...], axis=1, keepdims=True)
    lc = jax.nn.sigmoid(h2 + b2_ref[0])

    conf = 0.4 / z + 0.3 * (1.0 - norm_ent) + 0.3 * lc
    prim_ref[...] = amax.reshape(1, _R, 1)
    conf_ref[...] = conf.reshape(1, _R, 1)

    gidx = (jax.lax.broadcasted_iota(jnp.int32, (8, _V // 8), 0) * (_V // 8)
            + jax.lax.broadcasted_iota(jnp.int32, (8, _V // 8), 1))
    tops = []
    for k in range(_NB):
        r = 8 * k + 7
        xr = x[r:r + 1, :].reshape(8, _V // 8)
        v1 = jnp.max(xr)
        i1 = jnp.min(jnp.where(xr == v1, gidx, _V))
        xr = jnp.where(gidx == i1, -jnp.inf, xr)
        v2 = jnp.max(xr)
        i2 = jnp.min(jnp.where(xr == v2, gidx, _V))
        xr = jnp.where(gidx == i2, -jnp.inf, xr)
        v3 = jnp.max(xr)
        i3 = jnp.min(jnp.where(xr == v3, gidx, _V))
        tops += [i1, i2, i3]
    top3_ref[...] = jnp.stack(tops).reshape(1, 1, _NB * _BEAMS)

    @pl.when(i == 0)
    def _init():
        suma_ref[...] = jnp.zeros((1, 1), jnp.float32)

    suma_ref[...] = suma_ref[...] + jnp.sum(conf, axis=0, keepdims=True)


def _sc_stats_body(lg2d, statsf, statsi, row_v, outf_v, outi_v):
    c = jax.lax.axis_index("c")
    s = jax.lax.axis_index("s")
    wid = s * 2 + c
    row = _TAIL0 + wid
    pltpu.sync_copy(lg2d.at[row], row_v)

    iota16 = jax.lax.iota(jnp.int32, _L)

    def pass1(j, carry):
        m16, i16 = carry
        v = row_v[pl.ds(j * _L, _L)]
        cond = v > m16
        i16 = jnp.where(cond, j * _L + iota16, i16)
        m16 = jnp.where(cond, v, m16)
        return (m16, i16)

    m16, i16 = jax.lax.fori_loop(
        0, _V // _L, pass1,
        (jnp.full((_L,), -jnp.inf, jnp.float32),
         jnp.zeros((_L,), jnp.int32)), unroll=8)
    m = m16[0]
    for j in range(1, _L):
        m = jnp.maximum(m, m16[j])
    cand = jnp.where(m16 == m, i16, _V)
    argm = cand[0]
    for j in range(1, _L):
        argm = jnp.minimum(argm, cand[j])

    def pass2(j, carry):
        z16, s16 = carry
        v = row_v[pl.ds(j * _L, _L)]
        t = v - m
        e = jnp.exp(t)
        return (z16 + e, s16 + e * t)

    z16, s16 = jax.lax.fori_loop(
        0, _V // _L, pass2,
        (jnp.zeros((_L,), jnp.float32),
         jnp.zeros((_L,), jnp.float32)), unroll=8)
    z = z16[0]
    s1 = s16[0]
    for j in range(1, _L):
        z = z + z16[j]
        s1 = s1 + s16[j]

    outf_v[...] = jnp.where(iota16 == 0, m,
                            jnp.where(iota16 == 1, z,
                                      jnp.where(iota16 == 2, s1, 0.0)))
    outi_v[...] = jnp.where(iota16 == 0, argm, 0)
    pltpu.sync_copy(outf_v, statsf.at[pl.ds(wid * _L, _L)])
    pltpu.sync_copy(outi_v, statsi.at[pl.ds(wid * _L, _L)])


def _top3_tail_body(lgr_ref, top3_ref):
    gidx = (jax.lax.broadcasted_iota(jnp.int32, (8, _V // 8), 0) * (_V // 8)
            + jax.lax.broadcasted_iota(jnp.int32, (8, _V // 8), 1))
    xr = lgr_ref[...]
    v1 = jnp.max(xr)
    i1 = jnp.min(jnp.where(xr == v1, gidx, _V))
    xr = jnp.where(gidx == i1, -jnp.inf, xr)
    v2 = jnp.max(xr)
    i2 = jnp.min(jnp.where(xr == v2, gidx, _V))
    xr = jnp.where(gidx == i2, -jnp.inf, xr)
    v3 = jnp.max(xr)
    i3 = jnp.min(jnp.where(xr == v3, gidx, _V))
    top3_ref[...] = jnp.stack([i1, i2, i3]).reshape(1, 1, _BEAMS)


def _combine_body(hs_ref, w1_ref, b1_ref, w2_ref, b2_ref,
                  statsf_ref, statsi_ref, suma_ref, t3m_ref, t3t_ref,
                  prim_ref, conf_ref, mean_ref, alt_ref):
    m = statsf_ref[:, 0:1]
    z = statsf_ref[:, 1:2]
    s1 = statsf_ref[:, 2:3]
    entropy = jnp.log(z) - s1 / z
    norm_ent = entropy * _INV_LOG_V

    h1 = jax.lax.dot_general(hs_ref[...], w1_ref[...],
                             dimension_numbers=(((1,), (1,)), ((), ())),
                             preferred_element_type=jnp.float32)
    h1 = h1 + b1_ref[...]
    g = 0.5 * h1 * (1.0 + jax.lax.erf(h1 * _INV_SQRT2))
    h2 = jnp.sum(g * w2_ref[...], axis=1, keepdims=True)
    lc = jax.nn.sigmoid(h2 + b2_ref[0])

    conf = 0.4 / z + 0.3 * (1.0 - norm_ent) + 0.3 * lc
    prim_ref[...] = statsi_ref[:, 0:1]
    conf_ref[...] = conf
    mean = (suma_ref[...] + jnp.sum(conf, axis=0, keepdims=True)) \
        * (1.0 / (_B * _S))
    mean_ref[...] = mean
    flag = (mean < _THRESH).astype(jnp.int32)
    alt_ref[...] = jnp.concatenate(
        [t3m_ref[...], t3t_ref[...]], axis=0) * flag


def kernel(model, input_ids, logits, hidden_states, W1, b1, W2, b2):
    lg = logits.reshape(_B * _S, _V)
    lgr = logits.reshape(_B * _S * 8, _V // 8)
    hs = hidden_states.reshape(_B * _S, _H)
    b1r = b1.reshape(1, _HH)
    w2r = W2.reshape(1, _HH)
    b2r = b2.reshape(1)
    nsteps = _TCB * _S // _R

    sc_mesh = plsc.VectorSubcoreMesh(core_axis_name="c", subcore_axis_name="s")
    sc_stats = functools.partial(
        pl.kernel, mesh=sc_mesh,
        out_type=[
            jax.ShapeDtypeStruct((_NTAIL * _L,), jnp.float32),
            jax.ShapeDtypeStruct((_NTAIL * _L,), jnp.int32),
        ],
        scratch_types=[
            pltpu.VMEM((_V,), jnp.float32),
            pltpu.VMEM((_L,), jnp.float32),
            pltpu.VMEM((_L,), jnp.int32),
        ],
    )(_sc_stats_body)
    statsf, statsi = sc_stats(lg)

    prim_main, conf_main, top3_main, suma = pl.pallas_call(
        _main_body,
        grid=(nsteps,),
        in_specs=[
            pl.BlockSpec((_R, _V), lambda i: (i, 0)),
            pl.BlockSpec((_R, _H), lambda i: (i, 0)),
            pl.BlockSpec((_HH, _H), lambda i: (0, 0)),
            pl.BlockSpec((1, _HH), lambda i: (0, 0)),
            pl.BlockSpec((1, _HH), lambda i: (0, 0)),
            pl.BlockSpec(memory_space=pltpu.SMEM),
        ],
        out_specs=[
            pl.BlockSpec((1, _R, 1), lambda i: (i, 0, 0)),
            pl.BlockSpec((1, _R, 1), lambda i: (i, 0, 0)),
            pl.BlockSpec((1, 1, _NB * _BEAMS), lambda i: (i, 0, 0)),
            pl.BlockSpec((1, 1), lambda i: (0, 0)),
        ],
        out_shape=[
            jax.ShapeDtypeStruct((nsteps, _R, 1), jnp.int32),
            jax.ShapeDtypeStruct((nsteps, _R, 1), jnp.float32),
            jax.ShapeDtypeStruct((nsteps, 1, _NB * _BEAMS), jnp.int32),
            jax.ShapeDtypeStruct((1, 1), jnp.float32),
        ],
    )(lg, hs, W1, b1r, w2r, b2r)

    top3_tail = pl.pallas_call(
        _top3_tail_body,
        grid=(_SCB,),
        in_specs=[
            pl.BlockSpec((8, _V // 8), lambda j: (8 * (_TCB + j) + 7, 0)),
        ],
        out_specs=pl.BlockSpec((1, 1, _BEAMS), lambda j: (j, 0, 0)),
        out_shape=jax.ShapeDtypeStruct((_SCB, 1, _BEAMS), jnp.int32),
    )(lgr)

    prim_tail, conf_tail, mean, alternatives = pl.pallas_call(
        _combine_body,
        in_specs=[
            pl.BlockSpec((_NTAIL, _H), lambda: (0, 0)),
            pl.BlockSpec((_HH, _H), lambda: (0, 0)),
            pl.BlockSpec((1, _HH), lambda: (0, 0)),
            pl.BlockSpec((1, _HH), lambda: (0, 0)),
            pl.BlockSpec(memory_space=pltpu.SMEM),
            pl.BlockSpec((_NTAIL, _L), lambda: (0, 0)),
            pl.BlockSpec((_NTAIL, _L), lambda: (0, 0)),
            pl.BlockSpec((1, 1), lambda: (0, 0)),
            pl.BlockSpec((_TCB, _BEAMS), lambda: (0, 0)),
            pl.BlockSpec((_SCB, _BEAMS), lambda: (0, 0)),
        ],
        out_specs=[
            pl.BlockSpec((_NTAIL, 1), lambda: (0, 0)),
            pl.BlockSpec((_NTAIL, 1), lambda: (0, 0)),
            pl.BlockSpec((1, 1), lambda: (0, 0)),
            pl.BlockSpec((_B, _BEAMS), lambda: (0, 0)),
        ],
        out_shape=[
            jax.ShapeDtypeStruct((_NTAIL, 1), jnp.int32),
            jax.ShapeDtypeStruct((_NTAIL, 1), jnp.float32),
            jax.ShapeDtypeStruct((1, 1), jnp.float32),
            jax.ShapeDtypeStruct((_B, _BEAMS), jnp.int32),
        ],
    )(hs[_TAIL0:], W1, b1r, w2r, b2r,
      statsf.reshape(_NTAIL, _L), statsi.reshape(_NTAIL, _L), suma,
      top3_main.reshape(_TCB, _BEAMS), top3_tail.reshape(_SCB, _BEAMS))

    prim = jnp.concatenate(
        [prim_main.reshape(_TCB * _S), prim_tail.reshape(_NTAIL)])
    conf = jnp.concatenate(
        [conf_main.reshape(_TCB * _S), conf_tail.reshape(_NTAIL)])
    return (prim.reshape(_B, _S), conf.reshape(_B, _S),
            mean.reshape(()), alternatives)

# --- scband reference (transcript-rebuilt; emitter-appended) ---
"""Pipeline reference for scband-uncertainty-aware-generation-8718783611340 (READ-ONLY COPY).

The authoritative reference and input builder live on the scoring server;
editing this copy changes nothing except your own understanding.
"""

import jax, jax.numpy as jnp
import numpy as np

B = 32
S = 8
VOCAB = 65536
HIDDEN = 2048
THRESH = 0.7
BEAMS = 3


def setup_inputs(seed: int = 0) -> dict:
    key = jax.random.key(seed)
    k1, k2, k3, k4, k5 = jax.random.split(key, 5)
    logits = jax.random.normal(k1, (B, S, VOCAB), dtype=jnp.float32)
    hidden_states = jax.random.normal(k2, (B, S, HIDDEN), dtype=jnp.float32)
    input_ids = jax.random.randint(k3, (B, 2048), 0, VOCAB)
    W1 = jax.random.normal(k4, (HIDDEN // 2, HIDDEN), dtype=jnp.float32) * 0.02
    b1 = jnp.zeros((HIDDEN // 2,), dtype=jnp.float32)
    W2 = jax.random.normal(k5, (1, HIDDEN // 2), dtype=jnp.float32) * 0.02
    b2 = jnp.zeros((1,), dtype=jnp.float32)
    return {"model": 0, "input_ids": input_ids, "logits": logits,
            "hidden_states": hidden_states, "W1": W1, "b1": b1, "W2": W2, "b2": b2}


def reference(model, input_ids, logits, hidden_states, W1, b1, W2, b2):
    # compute_confidence
    probs = jax.nn.softmax(logits, axis=-1)
    max_probs = jnp.max(probs, axis=-1)
    entropy = -jnp.sum(probs * jnp.log(probs + 1e-10), axis=-1)
    max_entropy = jnp.log(jnp.float32(VOCAB))
    normalized_entropy = entropy / max_entropy
    # uncertainty head: Linear -> GELU -> (dropout eval = identity) -> Linear -> Sigmoid
    h = jax.nn.gelu(hidden_states @ W1.T + b1, approximate=False)
    learned_confidence = jax.nn.sigmoid(h @ W2.T + b2)[..., 0]
    confidence = 0.4 * max_probs + 0.3 * (1.0 - normalized_entropy) + 0.3 * learned_confidence
    mean_confidence = jnp.mean(confidence)
    primary_tokens = jnp.argmax(logits, axis=-1)
    uncertainty_flag = mean_confidence < THRESH
    # generate_alternatives: softmax over last-step logits, top-k indices
    last_probs = jax.nn.softmax(logits[:, -1, :], axis=-1)
    top_probs, top_indices = jax.lax.top_k(last_probs, BEAMS)
    alternatives = jnp.where(uncertainty_flag,
                             top_indices,  # column k == k-th alternative token [B]
                             jnp.zeros((B, BEAMS), dtype=jnp.int32))
    return (primary_tokens, confidence, mean_confidence, alternatives)

if __name__ == "__main__":
    import jax
    _d = setup_inputs()
    print(jax.jit(kernel)(*tuple(_d.values())))

</pallas_src>

<mosaic_0001>
#map = affine_map<(d0, d1) -> (0, 0)>
#map1 = affine_map<(d0, d1) -> (0)>
module attributes {stable_mosaic.version = 14 : i64} {
  func.func @_sc_stats_body(%arg0: i32, %arg1: i32, %arg2: memref<256x65536xf32, #tpu.memory_space<hbm>>, %arg3: memref<512xf32, #tpu.memory_space<hbm>>, %arg4: memref<512xi32, #tpu.memory_space<hbm>>, %arg5: memref<65536xf32, #tpu.memory_space<vmem>>, %arg6: memref<16xf32, #tpu.memory_space<vmem>>, %arg7: memref<16xi32, #tpu.memory_space<vmem>>) attributes {dimension_semantics = [#tpu.dimension_semantics<core_parallel>, #tpu.dimension_semantics<subcore_parallel>], iteration_bounds = array<i64: 2, 16>, scalar_prefetch = 0 : i64, scratch_operands = 3 : i64, tpu.core_type = #tpu.core_type<sc_vector_subcore>, window_params = [{transform_indices = #map}, {transform_indices = #map1}, {transform_indices = #map1}]} {
    %mul3A = arith.constant 2 : i32
    %mul3A_0 = arith.muli %arg1, %mul3A : i32
    %add3A = arith.addi %mul3A_0, %arg0 : i32
    %add3A_1 = arith.constant 224 : i32
    %add3A_2 = arith.addi %add3A_1, %add3A : i32
    "tpu.region"() ({
      %run_scoped3A = tpu.sem_alloc : memref<!tpu.dma_semaphore, #tpu.memory_space<semaphore_mem>>
      %dma_start3A = arith.constant 0 : i32
      %dma_start3A_242 = tpu.memref_slice %arg2[%add3A_2, %dma_start3A] : memref<256x65536xf32, #tpu.memory_space<hbm>> -> memref<1x65536xf32, #tpu.memory_space<hbm>>
      %dma_start3A_243 = tpu.memref_squeeze %dma_start3A_242 : memref<1x65536xf32, #tpu.memory_space<hbm>> -> memref<65536xf32, #tpu.memory_space<hbm>>
      %dma_start3A_244 = arith.constant 0 : i32
      %dma_start3A_245 = tpu.memref_slice %arg2[%add3A_2, %dma_start3A_244] : memref<256x65536xf32, #tpu.memory_space<hbm>> -> memref<1x65536xf32, #tpu.memory_space<hbm>>
      %dma_start3A_246 = tpu.memref_squeeze %dma_start3A_245 : memref<1x65536xf32, #tpu.memory_space<hbm>> -> memref<65536xf32, #tpu.memory_space<hbm>>
      tpu.enqueue_dma source(%dma_start3A_246 : memref<65536xf32, #tpu.memory_space<hbm>>) target(%arg5 : memref<65536xf32, #tpu.memory_space<vmem>>) target_semaphore(%run_scoped3A : memref<!tpu.dma_semaphore, #tpu.memory_space<semaphore_mem>>)
      %dma_wait3A = arith.constant 0 : i32
      %dma_wait3A_247 = tpu.memref_slice %arg2[%add3A_2, %dma_wait3A] : memref<256x65536xf32, #tpu.memory_space<hbm>> -> memref<1x65536xf32, #tpu.memory_space<hbm>>
      %dma_wait3A_248 = tpu.memref_squeeze %dma_wait3A_247 : memref<1x65536xf32, #tpu.memory_space<hbm>> -> memref<65536xf32, #tpu.memory_space<hbm>>
      %dma_wait3A_249 = arith.constant 0 : i32
      %dma_wait3A_250 = tpu.memref_slice %arg2[%add3A_2, %dma_wait3A_249] : memref<256x65536xf32, #tpu.memory_space<hbm>> -> memref<1x65536xf32, #tpu.memory_space<hbm>>
      %dma_wait3A_251 = tpu.memref_squeeze %dma_wait3A_250 : memref<1x65536xf32, #tpu.memory_space<hbm>> -> memref<65536xf32, #tpu.memory_space<hbm>>
      tpu.wait_dma2 semaphore(%run_scoped3A : memref<!tpu.dma_semaphore, #tpu.memory_space<semaphore_mem>>) src(%dma_wait3A_251 : memref<65536xf32, #tpu.memory_space<hbm>>) dst(%arg5 : memref<65536xf32, #tpu.memory_space<vmem>>)
      tpu.yield
    }) : () -> ()
    %iota3A = tpu.iota {dimensions = array<i32: 0>} : vector<16xi32>
    %broadcast_in_dim3A = arith.constant 0xFF800000 : f32
    %broadcast_in_dim3A_3 = vector.broadcast %broadcast_in_dim3A : f32 to vector<16xf32>
    %broadcast_in_dim3A_4 = arith.constant 0 : i32
    %broadcast_in_dim3A_5 = vector.broadcast %broadcast_in_dim3A_4 : i32 to vector<16xi32>
    %scan3A = arith.constant 0 : i32
    %scan3A_6 = arith.constant 4096 : i32
    %scan3A_7 = arith.addi %scan3A, %scan3A_6 : i32
    %scan3A_8 = arith.constant 8 : i32
    %scan3A_9:2 = scf.for %scan3A_242 = %scan3A to %scan3A_7 step %scan3A_8 iter_args(%scan3A_243 = %broadcast_in_dim3A_3, %scan3A_244 = %broadcast_in_dim3A_5) -> (vector<16xf32>, vector<16xi32>)  : i32 {
      %mul3A_245 = arith.constant 16 : i32
      %mul3A_246 = arith.muli %scan3A_242, %mul3A_245 : i32
      %get3A = arith.index_cast %mul3A_246 : i32 to index
      %get3A_247 = tpu.vector_load %arg5[%get3A] {strides = array<i32>} : memref<65536xf32, #tpu.memory_space<vmem>>, vector<16xf32>,
      %get3A_248 = vector.shape_cast %get3A_247 : vector<16xf32> to vector<16xf32>
      %gt3A = arith.cmpf ogt, %get3A_248, %scan3A_243 : vector<16xf32>
      %mul3A_249 = arith.constant 16 : i32
      %mul3A_250 = arith.muli %scan3A_242, %mul3A_249 : i32
      %add3A_251 = vector.broadcast %mul3A_250 : i32 to vector<16xi32>
      %add3A_252 = arith.addi %add3A_251, %iota3A : vector<16xi32>
      %select_n3A_253 = arith.select %gt3A, %add3A_252, %scan3A_244 : vector<16xi1>, vector<16xi32>
      %select_n3A_254 = arith.select %gt3A, %get3A_248, %scan3A_243 : vector<16xi1>, vector<16xf32>
      %scan3A_255 = arith.constant 1 : i32
      %scan3A_256 = arith.addi %scan3A_242, %scan3A_255 : i32
      %mul3A_257 = arith.constant 16 : i32
      %mul3A_258 = arith.muli %scan3A_256, %mul3A_257 : i32
      %get3A_259 = arith.index_cast %mul3A_258 : i32 to index
      %get3A_260 = tpu.vector_load %arg5[%get3A_259] {strides = array<i32>} : memref<65536xf32, #tpu.memory_space<vmem>>, vector<16xf32>,
      %get3A_261 = vector.shape_cast %get3A_260 : vector<16xf32> to vector<16xf32>
      %gt3A_262 = arith.cmpf ogt, %get3A_261, %select_n3A_254 : vector<16xf32>
      %mul3A_263 = arith.constant 16 : i32
      %mul3A_264 = arith.muli %scan3A_256, %mul3A_263 : i32
      %add3A_265 = vector.broadcast %mul3A_264 : i32 to vector<16xi32>
      %add3A_266 = arith.addi %add3A_265, %iota3A : vector<16xi32>
      %select_n3A_267 = arith.select %gt3A_262, %add3A_266, %select_n3A_253 : vector<16xi1>, vector<16xi32>
      %select_n3A_268 = arith.select %gt3A_262, %get3A_261, %select_n3A_254 : vector<16xi1>, vector<16xf32>
      %scan3A_269 = arith.constant 2 : i32
      %scan3A_270 = arith.addi %scan3A_242, %scan3A_269 : i32
      %mul3A_271 = arith.constant 16 : i32
      %mul3A_272 = arith.muli %scan3A_270, %mul3A_271 : i32
      %get3A_273 = arith.index_cast %mul3A_272 : i32 to index
      %get3A_274 = tpu.vector_load %arg5[%get3A_273] {strides = array<i32>} : memref<65536xf32, #tpu.memory_space<vmem>>, vector<16xf32>,
      %get3A_275 = vector.shape_cast %get3A_274 : vector<16xf32> to vector<16xf32>
      %gt3A_276 = arith.cmpf ogt, %get3A_275, %select_n3A_268 : vector<16xf32>
      %mul3A_277 = arith.constant 16 : i32
      %mul3A_278 = arith.muli %scan3A_270, %mul3A_277 : i32
      %add3A_279 = vector.broadcast %mul3A_278 : i32 to vector<16xi32>
      %add3A_280 = arith.addi %add3A_279, %iota3A : vector<16xi32>
      %select_n3A_281 = arith.select %gt3A_276, %add3A_280, %select_n3A_267 : vector<16xi1>, vector<16xi32>
      %select_n3A_282 = arith.select %gt3A_276, %get3A_275, %select_n3A_268 : vector<16xi1>, vector<16xf32>
      %scan3A_283 = arith.constant 3 : i32
      %scan3A_284 = arith.addi %scan3A_242, %scan3A_283 : i32
      %mul3A_285 = arith.constant 16 : i32
      %mul3A_286 = arith.muli %scan3A_284, %mul3A_285 : i32
      %get3A_287 = arith.index_cast %mul3A_286 : i32 to index
      %get3A_288 = tpu.vector_load %arg5[%get3A_287] {strides = array<i32>} : memref<65536xf32, #tpu.memory_space<vmem>>, vector<16xf32>,
      %get3A_289 = vector.shape_cast %get3A_288 : vector<16xf32> to vector<16xf32>
      %gt3A_290 = arith.cmpf ogt, %get3A_289, %select_n3A_282 : vector<16xf32>
      %mul3A_291 = arith.constant 16 : i32
      %mul3A_292 = arith.muli %scan3A_284, %mul3A_291 : i32
      %add3A_293 = vector.broadcast %mul3A_292 : i32 to vector<16xi32>
      %add3A_294 = arith.addi %add3A_293, %iota3A : vector<16xi32>
      %select_n3A_295 = arith.select %gt3A_290, %add3A_294, %select_n3A_281 : vector<16xi1>, vector<16xi32>
      %select_n3A_296 = arith.select %gt3A_290, %get3A_289, %select_n3A_282 : vector<16xi1>, vector<16xf32>
      %scan3A_297 = arith.constant 4 : i32
      %scan3A_298 = arith.addi %scan3A_242, %scan3A_297 : i32
      %mul3A_299 = arith.constant 16 : i32
      %mul3A_300 = arith.muli %scan3A_298, %mul3A_299 : i32
      %get3A_301 = arith.index_cast %mul3A_300 : i32 to index
      %get3A_302 = tpu.vector_load %arg5[%get3A_301] {strides = array<i32>} : memref<65536xf32, #tpu.memory_space<vmem>>, vector<16xf32>,
      %get3A_303 = vector.shape_cast %get3A_302 : vector<16xf32> to vector<16xf32>
      %gt3A_304 = arith.cmpf ogt, %get3A_303, %select_n3A_296 : vector<16xf32>
      %mul3A_305 = arith.constant 16 : i32
      %mul3A_306 = arith.muli %scan3A_298, %mul3A_305 : i32
      %add3A_307 = vector.broadcast %mul3A_306 : i32 to vector<16xi32>
      %add3A_308 = arith.addi %add3A_307, %iota3A : vector<16xi32>
      %select_n3A_309 = arith.select %gt3A_304, %add3A_308, %select_n3A_295 : vector<16xi1>, vector<16xi32>
      %select_n3A_310 = arith.select %gt3A_304, %get3A_303, %select_n3A_296 : vector<16xi1>, vector<16xf32>
      %scan3A_311 = arith.constant 5 : i32
      %scan3A_312 = arith.addi %scan3A_242, %scan3A_311 : i32
      %mul3A_313 = arith.constant 16 : i32
      %mul3A_314 = arith.muli %scan3A_312, %mul3A_313 : i32
      %get3A_315 = arith.index_cast %mul3A_314 : i32 to index
      %get3A_316 = tpu.vector_load %arg5[%get3A_315] {strides = array<i32>} : memref<65536xf32, #tpu.memory_space<vmem>>, vector<16xf32>,
      %get3A_317 = vector.shape_cast %get3A_316 : vector<16xf32> to vector<16xf32>
      %gt3A_318 = arith.cmpf ogt, %get3A_317, %select_n3A_310 : vector<16xf32>
      %mul3A_319 = arith.constant 16 : i32
      %mul3A_320 = arith.muli %scan3A_312, %mul3A_319 : i32
      %add3A_321 = vector.broadcast %mul3A_320 : i32 to vector<16xi32>
      %add3A_322 = arith.addi %add3A_321, %iota3A : vector<16xi32>
      %select_n3A_323 = arith.select %gt3A_318, %add3A_322, %select_n3A_309 : vector<16xi1>, vector<16xi32>
      %select_n3A_324 = arith.select %gt3A_318, %get3A_317, %select_n3A_310 : vector<16xi1>, vector<16xf32>
      %scan3A_325 = arith.constant 6 : i32
      %scan3A_326 = arith.addi %scan3A_242, %scan3A_325 : i32
      %mul3A_327 = arith.constant 16 : i32
      %mul3A_328 = arith.muli %scan3A_326, %mul3A_327 : i32
      %get3A_329 = arith.index_cast %mul3A_328 : i32 to index
      %get3A_330 = tpu.vector_load %arg5[%get3A_329] {strides = array<i32>} : memref<65536xf32, #tpu.memory_space<vmem>>, vector<16xf32>,
      %get3A_331 = vector.shape_cast %get3A_330 : vector<16xf32> to vector<16xf32>
      %gt3A_332 = arith.cmpf ogt, %get3A_331, %select_n3A_324 : vector<16xf32>
      %mul3A_333 = arith.constant 16 : i32
      %mul3A_334 = arith.muli %scan3A_326, %mul3A_333 : i32
      %add3A_335 = vector.broadcast %mul3A_334 : i32 to vector<16xi32>
      %add3A_336 = arith.addi %add3A_335, %iota3A : vector<16xi32>
      %select_n3A_337 = arith.select %gt3A_332, %add3A_336, %select_n3A_323 : vector<16xi1>, vector<16xi32>
      %select_n3A_338 = arith.select %gt3A_332, %get3A_331, %select_n3A_324 : vector<16xi1>, vector<16xf32>
      %scan3A_339 = arith.constant 7 : i32
      %scan3A_340 = arith.addi %scan3A_242, %scan3A_339 : i32
      %mul3A_341 = arith.constant 16 : i32
      %mul3A_342 = arith.muli %scan3A_340, %mul3A_341 : i32
      %get3A_343 = arith.index_cast %mul3A_342 : i32 to index
      %get3A_344 = tpu.vector_load %arg5[%get3A_343] {strides = array<i32>} : memref<65536xf32, #tpu.memory_space<vmem>>, vector<16xf32>,
      %get3A_345 = vector.shape_cast %get3A_344 : vector<16xf32> to vector<16xf32>
      %gt3A_346 = arith.cmpf ogt, %get3A_345, %select_n3A_338 : vector<16xf32>
      %mul3A_347 = arith.constant 16 : i32
      %mul3A_348 = arith.muli %scan3A_340, %mul3A_347 : i32
      %add3A_349 = vector.broadcast %mul3A_348 : i32 to vector<16xi32>
      %add3A_350 = arith.addi %add3A_349, %iota3A : vector<16xi32>
      %select_n3A_351 = arith.select %gt3A_346, %add3A_350, %select_n3A_337 : vector<16xi1>, vector<16xi32>
      %select_n3A_352 = arith.select %gt3A_346, %get3A_345, %select_n3A_338 : vector<16xi1>, vector<16xf32>
      scf.yield %select_n3A_352, %select_n3A_351 : vector<16xf32>, vector<16xi32>
    }
    %scan3A_10 = arith.constant 4096 : i32
    %slice3A = vector.extract_strided_slice %scan3A_9#0 {offsets = [0], sizes = [1], strides = [1]} : vector<16xf32> to vector<1xf32>
    %squeeze3A = vector.extract %slice3A[0] : f32 from vector<1xf32>
    %slice3A_11 = vector.extract_strided_slice %scan3A_9#0 {offsets = [1], sizes = [1], strides = [1]} : vector<16xf32> to vector<1xf32>
    %squeeze3A_12 = vector.extract %slice3A_11[0] : f32 from vector<1xf32>
    %max3A = arith.maximumf %squeeze3A, %squeeze3A_12 : f32
    %slice3A_13 = vector.extract_strided_slice %scan3A_9#0 {offsets = [2], sizes = [1], strides = [1]} : vector<16xf32> to vector<1xf32>
    %squeeze3A_14 = vector.extract %slice3A_13[0] : f32 from vector<1xf32>
    %max3A_15 = arith.maximumf %max3A, %squeeze3A_14 : f32
    %slice3A_16 = vector.extract_strided_slice %scan3A_9#0 {offsets = [3], sizes = [1], strides = [1]} : vector<16xf32> to vector<1xf32>
    %squeeze3A_17 = vector.extract %slice3A_16[0] : f32 from vector<1xf32>
    %max3A_18 = arith.maximumf %max3A_15, %squeeze3A_17 : f32
    %slice3A_19 = vector.extract_strided_slice %scan3A_9#0 {offsets = [4], sizes = [1], strides = [1]} : vector<16xf32> to vector<1xf32>
    %squeeze3A_20 = vector.extract %slice3A_19[0] : f32 from vector<1xf32>
    %max3A_21 = arith.maximumf %max3A_18, %squeeze3A_20 : f32
    %slice3A_22 = vector.extract_strided_slice %scan3A_9#0 {offsets = [5], sizes = [1], strides = [1]} : vector<16xf32> to vector<1xf32>
    %squeeze3A_23 = vector.extract %slice3A_22[0] : f32 from vector<1xf32>
    %max3A_24 = arith.maximumf %max3A_21, %squeeze3A_23 : f32
    %slice3A_25 = vector.extract_strided_slice %scan3A_9#0 {offsets = [6], sizes = [1], strides = [1]} : vector<16xf32> to vector<1xf32>
    %squeeze3A_26 = vector.extract %slice3A_25[0] : f32 from vector<1xf32>
    %max3A_27 = arith.maximumf %max3A_24, %squeeze3A_26 : f32
    %slice3A_28 = vector.extract_strided_slice %scan3A_9#0 {offsets = [7], sizes = [1], strides = [1]} : vector<16xf32> to vector<1xf32>
    %squeeze3A_29 = vector.extract %slice3A_28[0] : f32 from vector<1xf32>
    %max3A_30 = arith.maximumf %max3A_27, %squeeze3A_29 : f32
    %slice3A_31 = vector.extract_strided_slice %scan3A_9#0 {offsets = [8], sizes = [1], strides = [1]} : vector<16xf32> to vector<1xf32>
    %squeeze3A_32 = vector.extract %slice3A_31[0] : f32 from vector<1xf32>
    %max3A_33 = arith.maximumf %max3A_30, %squeeze3A_32 : f32
    %slice3A_34 = vector.extract_strided_slice %scan3A_9#0 {offsets = [9], sizes = [1], strides = [1]} : vector<16xf32> to vector<1xf32>
    %squeeze3A_35 = vector.extract %slice3A_34[0] : f32 from vector<1xf32>
    %max3A_36 = arith.maximumf %max3A_33, %squeeze3A_35 : f32
    %slice3A_37 = vector.extract_strided_slice %scan3A_9#0 {offsets = [10], sizes = [1], strides = [1]} : vector<16xf32> to vector<1xf32>
    %squeeze3A_38 = vector.extract %slice3A_37[0] : f32 from vector<1xf32>
    %max3A_39 = arith.maximumf %max3A_36, %squeeze3A_38 : f32
    %slice3A_40 = vector.extract_strided_slice %scan3A_9#0 {offsets = [11], sizes = [1], strides = [1]} : vector<16xf32> to vector<1xf32>
    %squeeze3A_41 = vector.extract %slice3A_40[0] : f32 from vector<1xf32>
    %max3A_42 = arith.maximumf %max3A_39, %squeeze3A_41 : f32
    %slice3A_43 = vector.extract_strided_slice %scan3A_9#0 {offsets = [12], sizes = [1], strides = [1]} : vector<16xf32> to vector<1xf32>
    %squeeze3A_44 = vector.extract %slice3A_43[0] : f32 from vector<1xf32>
    %max3A_45 = arith.maximumf %max3A_42, %squeeze3A_44 : f32
    %slice3A_46 = vector.extract_strided_slice %scan3A_9#0 {offsets = [13], sizes = [1], strides = [1]} : vector<16xf32> to vector<1xf32>
    %squeeze3A_47 = vector.extract %slice3A_46[0] : f32 from vector<1xf32>
    %max3A_48 = arith.maximumf %max3A_45, %squeeze3A_47 : f32
    %slice3A_49 = vector.extract_strided_slice %scan3A_9#0 {offsets = [14], sizes = [1], strides = [1]} : vector<16xf32> to vector<1xf32>
    %squeeze3A_50 = vector.extract %slice3A_49[0] : f32 from vector<1xf32>
    %max3A_51 = arith.maximumf %max3A_48, %squeeze3A_50 : f32
    %slice3A_52 = vector.extract_strided_slice %scan3A_9#0 {offsets = [15], sizes = [1], strides = [1]} : vector<16xf32> to vector<1xf32>
    %squeeze3A_53 = vector.extract %slice3A_52[0] : f32 from vector<1xf32>
    %max3A_54 = arith.maximumf %max3A_51, %squeeze3A_53 : f32
    %eq3A = vector.broadcast %max3A_54 : f32 to vector<16xf32>
    %eq3A_55 = arith.cmpf oeq, %scan3A_9#0, %eq3A : vector<16xf32>
    %jit3A = arith.constant 65536 : i32
    %broadcast_in_dim3A_56 = vector.broadcast %jit3A : i32 to vector<16xi32>
    %select_n3A = arith.select %eq3A_55, %scan3A_9#1, %broadcast_in_dim3A_56 : vector<16xi1>, vector<16xi32>
    %slice3A_57 = vector.extract_strided_slice %select_n3A {offsets = [0], sizes = [1], strides = [1]} : vector<16xi32> to vector<1xi32>
    %squeeze3A_58 = vector.extract %slice3A_57[0] : i32 from vector<1xi32>
    %slice3A_59 = vector.extract_strided_slice %select_n3A {offsets = [1], sizes = [1], strides = [1]} : vector<16xi32> to vector<1xi32>
    %squeeze3A_60 = vector.extract %slice3A_59[0] : i32 from vector<1xi32>
    %min3A = arith.minsi %squeeze3A_58, %squeeze3A_60 : i32
    %slice3A_61 = vector.extract_strided_slice %select_n3A {offsets = [2], sizes = [1], strides = [1]} : vector<16xi32> to vector<1xi32>
    %squeeze3A_62 = vector.extract %slice3A_61[0] : i32 from vector<1xi32>
    %min3A_63 = arith.minsi %min3A, %squeeze3A_62 : i32
    %slice3A_64 = vector.extract_strided_slice %select_n3A {offsets = [3], sizes = [1], strides = [1]} : vector<16xi32> to vector<1xi32>
    %squeeze3A_65 = vector.extract %slice3A_64[0] : i32 from vector<1xi32>
    %min3A_66 = arith.minsi %min3A_63, %squeeze3A_65 : i32
    %slice3A_67 = vector.extract_strided_slice %select_n3A {offsets = [4], sizes = [1], strides = [1]} : vector<16xi32> to vector<1xi32>
    %squeeze3A_68 = vector.extract %slice3A_67[0] : i32 from vector<1xi32>
    %min3A_69 = arith.minsi %min3A_66, %squeeze3A_68 : i32
    %slice3A_70 = vector.extract_strided_slice %select_n3A {offsets = [5], sizes = [1], strides = [1]} : vector<16xi32> to vector<1xi32>
    %squeeze3A_71 = vector.extract %slice3A_70[0] : i32 from vector<1xi32>
    %min3A_72 = arith.minsi %min3A_69, %squeeze3A_71 : i32
    %slice3A_73 = vector.extract_strided_slice %select_n3A {offsets = [6], sizes = [1], strides = [1]} : vector<16xi32> to vector<1xi32>
    %squeeze3A_74 = vector.extract %slice3A_73[0] : i32 from vector<1xi32>
    %min3A_75 = arith.minsi %min3A_72, %squeeze3A_74 : i32
    %slice3A_76 = vector.extract_strided_slice %select_n3A {offsets = [7], sizes = [1], strides = [1]} : vector<16xi32> to vector<1xi32>
    %squeeze3A_77 = vector.extract %slice3A_76[0] : i32 from vector<1xi32>
    %min3A_78 = arith.minsi %min3A_75, %squeeze3A_77 : i32
    %slice3A_79 = vector.extract_strided_slice %select_n3A {offsets = [8], sizes = [1], strides = [1]} : vector<16xi32> to vector<1xi32>
    %squeeze3A_80 = vector.extract %slice3A_79[0] : i32 from vector<1xi32>
    %min3A_81 = arith.minsi %min3A_78, %squeeze3A_80 : i32
    %slice3A_82 = vector.extract_strided_slice %select_n3A {offsets = [9], sizes = [1], strides = [1]} : vector<16xi32> to vector<1xi32>
    %squeeze3A_83 = vector.extract %slice3A_82[0] : i32 from vector<1xi32>
    %min3A_84 = arith.minsi %min3A_81, %squeeze3A_83 : i32
    %slice3A_85 = vector.extract_strided_slice %select_n3A {offsets = [10], sizes = [1], strides = [1]} : vector<16xi32> to vector<1xi32>
    %squeeze3A_86 = vector.extract %slice3A_85[0] : i32 from vector<1xi32>
    %min3A_87 = arith.minsi %min3A_84, %squeeze3A_86 : i32
    %slice3A_88 = vector.extract_strided_slice %select_n3A {offsets = [11], sizes = [1], strides = [1]} : vector<16xi32> to vector<1xi32>
    %squeeze3A_89 = vector.extract %slice3A_88[0] : i32 from vector<1xi32>
    %min3A_90 = arith.minsi %min3A_87, %squeeze3A_89 : i32
    %slice3A_91 = vector.extract_strided_slice %select_n3A {offsets = [12], sizes = [1], strides = [1]} : vector<16xi32> to vector<1xi32>
    %squeeze3A_92 = vector.extract %slice3A_91[0] : i32 from vector<1xi32>
    %min3A_93 = arith.minsi %min3A_90, %squeeze3A_92 : i32
    %slice3A_94 = vector.extract_strided_slice %select_n3A {offsets = [13], sizes = [1], strides = [1]} : vector<16xi32> to vector<1xi32>
    %squeeze3A_95 = vector.extract %slice3A_94[0] : i32 from vector<1xi32>
    %min3A_96 = arith.minsi %min3A_93, %squeeze3A_95 : i32
    %slice3A_97 = vector.extract_strided_slice %select_n3A {offsets = [14], sizes = [1], strides = [1]} : vector<16xi32> to vector<1xi32>
    %squeeze3A_98 = vector.extract %slice3A_97[0] : i32 from vector<1xi32>
    %min3A_99 = arith.minsi %min3A_96, %squeeze3A_98 : i32
    %slice3A_100 = vector.extract_strided_slice %select_n3A {offsets = [15], sizes = [1], strides = [1]} : vector<16xi32> to vector<1xi32>
    %squeeze3A_101 = vector.extract %slice3A_100[0] : i32 from vector<1xi32>
    %min3A_102 = arith.minsi %min3A_99, %squeeze3A_101 : i32
    %broadcast_in_dim3A_103 = arith.constant 0.000000e+00 : f32
    %broadcast_in_dim3A_104 = vector.broadcast %broadcast_in_dim3A_103 : f32 to vector<16xf32>
    %broadcast_in_dim3A_105 = arith.constant 0.000000e+00 : f32
    %broadcast_in_dim3A_106 = vector.broadcast %broadcast_in_dim3A_105 : f32 to vector<16xf32>
    %scan3A_107 = arith.constant 0 : i32
    %scan3A_108 = arith.constant 4096 : i32
    %scan3A_109 = arith.addi %scan3A_107, %scan3A_108 : i32
    %scan3A_110 = arith.constant 8 : i32
    %scan3A_111:2 = scf.for %scan3A_242 = %scan3A_107 to %scan3A_109 step %scan3A_110 iter_args(%scan3A_243 = %broadcast_in_dim3A_104, %scan3A_244 = %broadcast_in_dim3A_106) -> (vector<16xf32>, vector<16xf32>)  : i32 {
      %mul3A_245 = arith.constant 16 : i32
      %mul3A_246 = arith.muli %scan3A_242, %mul3A_245 : i32
      %get3A = arith.index_cast %mul3A_246 : i32 to index
      %get3A_247 = tpu.vector_load %arg5[%get3A] {strides = array<i32>} : memref<65536xf32, #tpu.memory_space<vmem>>, vector<16xf32>,
      %get3A_248 = vector.shape_cast %get3A_247 : vector<16xf32> to vector<16xf32>
      %sub3A = vector.broadcast %max3A_54 : f32 to vector<16xf32>
      %sub3A_249 = arith.subf %get3A_248, %sub3A : vector<16xf32>
      %exp3A = math.exp %sub3A_249 : vector<16xf32>
      %add3A_250 = arith.addf %scan3A_243, %exp3A : vector<16xf32>
      %mul3A_251 = arith.mulf %exp3A, %sub3A_249 : vector<16xf32>
      %add3A_252 = arith.addf %scan3A_244, %mul3A_251 : vector<16xf32>
      %scan3A_253 = arith.constant 1 : i32
      %scan3A_254 = arith.addi %scan3A_242, %scan3A_253 : i32
      %mul3A_255 = arith.constant 16 : i32
      %mul3A_256 = arith.muli %scan3A_254, %mul3A_255 : i32
      %get3A_257 = arith.index_cast %mul3A_256 : i32 to index
      %get3A_258 = tpu.vector_load %arg5[%get3A_257] {strides = array<i32>} : memref<65536xf32, #tpu.memory_space<vmem>>, vector<16xf32>,
      %get3A_259 = vector.shape_cast %get3A_258 : vector<16xf32> to vector<16xf32>
      %sub3A_260 = vector.broadcast %max3A_54 : f32 to vector<16xf32>
      %sub3A_261 = arith.subf %get3A_259, %sub3A_260 : vector<16xf32>
      %exp3A_262 = math.exp %sub3A_261 : vector<16xf32>
      %add3A_263 = arith.addf %add3A_250, %exp3A_262 : vector<16xf32>
      %mul3A_264 = arith.mulf %exp3A_262, %sub3A_261 : vector<16xf32>
      %add3A_265 = arith.addf %add3A_252, %mul3A_264 : vector<16xf32>
      %scan3A_266 = arith.constant 2 : i32
      %scan3A_267 = arith.addi %scan3A_242, %scan3A_266 : i32
      %mul3A_268 = arith.constant 16 : i32
      %mul3A_269 = arith.muli %scan3A_267, %mul3A_268 : i32
      %get3A_270 = arith.index_cast %mul3A_269 : i32 to index
      %get3A_271 = tpu.vector_load %arg5[%get3A_270] {strides = array<i32>} : memref<65536xf32, #tpu.memory_space<vmem>>, vector<16xf32>,
      %get3A_272 = vector.shape_cast %get3A_271 : vector<16xf32> to vector<16xf32>
      %sub3A_273 = vector.broadcast %max3A_54 : f32 to vector<16xf32>
      %sub3A_274 = arith.subf %get3A_272, %sub3A_273 : vector<16xf32>
      %exp3A_275 = math.exp %sub3A_274 : vector<16xf32>
      %add3A_276 = arith.addf %add3A_263, %exp3A_275 : vector<16xf32>
      %mul3A_277 = arith.mulf %exp3A_275, %sub3A_274 : vector<16xf32>
      %add3A_278 = arith.addf %add3A_265, %mul3A_277 : vector<16xf32>
      %scan3A_279 = arith.constant 3 : i32
      %scan3A_280 = arith.addi %scan3A_242, %scan3A_279 : i32
      %mul3A_281 = arith.constant 16 : i32
      %mul3A_282 = arith.muli %scan3A_280, %mul3A_281 : i32
      %get3A_283 = arith.index_cast %mul3A_282 : i32 to index
      %get3A_284 = tpu.vector_load %arg5[%get3A_283] {strides = array<i32>} : memref<65536xf32, #tpu.memory_space<vmem>>, vector<16xf32>,
      %get3A_285 = vector.shape_cast %get3A_284 : vector<16xf32> to vector<16xf32>
      %sub3A_286 = vector.broadcast %max3A_54 : f32 to vector<16xf32>
      %sub3A_287 = arith.subf %get3A_285, %sub3A_286 : vector<16xf32>
      %exp3A_288 = math.exp %sub3A_287 : vector<16xf32>
      %add3A_289 = arith.addf %add3A_276, %exp3A_288 : vector<16xf32>
      %mul3A_290 = arith.mulf %exp3A_288, %sub3A_287 : vector<16xf32>
      %add3A_291 = arith.addf %add3A_278, %mul3A_290 : vector<16xf32>
      %scan3A_292 = arith.constant 4 : i32
      %scan3A_293 = arith.addi %scan3A_242, %scan3A_292 : i32
      %mul3A_294 = arith.constant 16 : i32
      %mul3A_295 = arith.muli %scan3A_293, %mul3A_294 : i32
      %get3A_296 = arith.index_cast %mul3A_295 : i32 to index
      %get3A_297 = tpu.vector_load %arg5[%get3A_296] {strides = array<i32>} : memref<65536xf32, #tpu.memory_space<vmem>>, vector<16xf32>,
      %get3A_298 = vector.shape_cast %get3A_297 : vector<16xf32> to vector<16xf32>
      %sub3A_299 = vector.broadcast %max3A_54 : f32 to vector<16xf32>
      %sub3A_300 = arith.subf %get3A_298, %sub3A_299 : vector<16xf32>
      %exp3A_301 = math.exp %sub3A_300 : vector<16xf32>
      %add3A_302 = arith.addf %add3A_289, %exp3A_301 : vector<16xf32>
      %mul3A_303 = arith.mulf %exp3A_301, %sub3A_300 : vector<16xf32>
      %add3A_304 = arith.addf %add3A_291, %mul3A_303 : vector<16xf32>
      %scan3A_305 = arith.constant 5 : i32
      %scan3A_306 = arith.addi %scan3A_242, %scan3A_305 : i32
      %mul3A_307 = arith.constant 16 : i32
      %mul3A_308 = arith.muli %scan3A_306, %mul3A_307 : i32
      %get3A_309 = arith.index_cast %mul3A_308 : i32 to index
      %get3A_310 = tpu.vector_load %arg5[%get3A_309] {strides = array<i32>} : memref<65536xf32, #tpu.memory_space<vmem>>, vector<16xf32>,
      %get3A_311 = vector.shape_cast %get3A_310 : vector<16xf32> to vector<16xf32>
      %sub3A_312 = vector.broadcast %max3A_54 : f32 to vector<16xf32>
      %sub3A_313 = arith.subf %get3A_311, %sub3A_312 : vector<16xf32>
      %exp3A_314 = math.exp %sub3A_313 : vector<16xf32>
      %add3A_315 = arith.addf %add3A_302, %exp3A_314 : vector<16xf32>
      %mul3A_316 = arith.mulf %exp3A_314, %sub3A_313 : vector<16xf32>
      %add3A_317 = arith.addf %add3A_304, %mul3A_316 : vector<16xf32>
      %scan3A_318 = arith.constant 6 : i32
      %scan3A_319 = arith.addi %scan3A_242, %scan3A_318 : i32
      %mul3A_320 = arith.constant 16 : i32
      %mul3A_321 = arith.muli %scan3A_319, %mul3A_320 : i32
      %get3A_322 = arith.index_cast %mul3A_321 : i32 to index
      %get3A_323 = tpu.vector_load %arg5[%get3A_322] {strides = array<i32>} : memref<65536xf32, #tpu.memory_space<vmem>>, vector<16xf32>,
      %get3A_324 = vector.shape_cast %get3A_323 : vector<16xf32> to vector<16xf32>
      %sub3A_325 = vector.broadcast %max3A_54 : f32 to vector<16xf32>
      %sub3A_326 = arith.subf %get3A_324, %sub3A_325 : vector<16xf32>
      %exp3A_327 = math.exp %sub3A_326 : vector<16xf32>
      %add3A_328 = arith.addf %add3A_315, %exp3A_327 : vector<16xf32>
      %mul3A_329 = arith.mulf %exp3A_327, %sub3A_326 : vector<16xf32>
      %add3A_330 = arith.addf %add3A_317, %mul3A_329 : vector<16xf32>
      %scan3A_331 = arith.constant 7 : i32
      %scan3A_332 = arith.addi %scan3A_242, %scan3A_331 : i32
      %mul3A_333 = arith.constant 16 : i32
      %mul3A_334 = arith.muli %scan3A_332, %mul3A_333 : i32
      %get3A_335 = arith.index_cast %mul3A_334 : i32 to index
      %get3A_336 = tpu.vector_load %arg5[%get3A_335] {strides = array<i32>} : memref<65536xf32, #tpu.memory_space<vmem>>, vector<16xf32>,
      %get3A_337 = vector.shape_cast %get3A_336 : vector<16xf32> to vector<16xf32>
      %sub3A_338 = vector.broadcast %max3A_54 : f32 to vector<16xf32>
      %sub3A_339 = arith.subf %get3A_337, %sub3A_338 : vector<16xf32>
      %exp3A_340 = math.exp %sub3A_339 : vector<16xf32>
      %add3A_341 = arith.addf %add3A_328, %exp3A_340 : vector<16xf32>
      %mul3A_342 = arith.mulf %exp3A_340, %sub3A_339 : vector<16xf32>
      %add3A_343 = arith.addf %add3A_330, %mul3A_342 : vector<16xf32>
      scf.yield %add3A_341, %add3A_343 : vector<16xf32>, vector<16xf32>
    }
    %scan3A_112 = arith.constant 4096 : i32
    %slice3A_113 = vector.extract_strided_slice %scan3A_111#0 {offsets = [0], sizes = [1], strides = [1]} : vector<16xf32> to vector<1xf32>
    %squeeze3A_114 = vector.extract %slice3A_113[0] : f32 from vector<1xf32>
    %slice3A_115 = vector.extract_strided_slice %scan3A_111#1 {offsets = [0], sizes = [1], strides = [1]} : vector<16xf32> to vector<1xf32>
    %squeeze3A_116 = vector.extract %slice3A_115[0] : f32 from vector<1xf32>
    %slice3A_117 = vector.extract_strided_slice %scan3A_111#0 {offsets = [1], sizes = [1], strides = [1]} : vector<16xf32> to vector<1xf32>
    %squeeze3A_118 = vector.extract %slice3A_117[0] : f32 from vector<1xf32>
    %add3A_119 = arith.addf %squeeze3A_114, %squeeze3A_118 : f32
    %slice3A_120 = vector.extract_strided_slice %scan3A_111#1 {offsets = [1], sizes = [1], strides = [1]} : vector<16xf32> to vector<1xf32>
    %squeeze3A_121 = vector.extract %slice3A_120[0] : f32 from vector<1xf32>
    %add3A_122 = arith.addf %squeeze3A_116, %squeeze3A_121 : f32
    %slice3A_123 = vector.extract_strided_slice %scan3A_111#0 {offsets = [2], sizes = [1], strides = [1]} : vector<16xf32> to vector<1xf32>
    %squeeze3A_124 = vector.extract %slice3A_123[0] : f32 from vector<1xf32>
    %add3A_125 = arith.addf %add3A_119, %squeeze3A_124 : f32
    %slice3A_126 = vector.extract_strided_slice %scan3A_111#1 {offsets = [2], sizes = [1], strides = [1]} : vector<16xf32> to vector<1xf32>
    %squeeze3A_127 = vector.extract %slice3A_126[0] : f32 from vector<1xf32>
    %add3A_128 = arith.addf %add3A_122, %squeeze3A_127 : f32
    %slice3A_129 = vector.extract_strided_slice %scan3A_111#0 {offsets = [3], sizes = [1], strides = [1]} : vector<16xf32> to vector<1xf32>
    %squeeze3A_130 = vector.extract %slice3A_129[0] : f32 from vector<1xf32>
    %add3A_131 = arith.addf %add3A_125, %squeeze3A_130 : f32
    %slice3A_132 = vector.extract_strided_slice %scan3A_111#1 {offsets = [3], sizes = [1], strides = [1]} : vector<16xf32> to vector<1xf32>
    %squeeze3A_133 = vector.extract %slice3A_132[0] : f32 from vector<1xf32>
    %add3A_134 = arith.addf %add3A_128, %squeeze3A_133 : f32
    %slice3A_135 = vector.extract_strided_slice %scan3A_111#0 {offsets = [4], sizes = [1], strides = [1]} : vector<16xf32> to vector<1xf32>
    %squeeze3A_136 = vector.extract %slice3A_135[0] : f32 from vector<1xf32>
    %add3A_137 = arith.addf %add3A_131, %squeeze3A_136 : f32
    %slice3A_138 = vector.extract_strided_slice %scan3A_111#1 {offsets = [4], sizes = [1], strides = [1]} : vector<16xf32> to vector<1xf32>
    %squeeze3A_139 = vector.extract %slice3A_138[0] : f32 from vector<1xf32>
    %add3A_140 = arith.addf %add3A_134, %squeeze3A_139 : f32
    %slice3A_141 = vector.extract_strided_slice %scan3A_111#0 {offsets = [5], sizes = [1], strides = [1]} : vector<16xf32> to vector<1xf32>
    %squeeze3A_142 = vector.extract %slice3A_141[0] : f32 from vector<1xf32>
    %add3A_143 = arith.addf %add3A_137, %squeeze3A_142 : f32
    %slice3A_144 = vector.extract_strided_slice %scan3A_111#1 {offsets = [5], sizes = [1], strides = [1]} : vector<16xf32> to vector<1xf32>
    %squeeze3A_145 = vector.extract %slice3A_144[0] : f32 from vector<1xf32>
    %add3A_146 = arith.addf %add3A_140, %squeeze3A_145 : f32
    %slice3A_147 = vector.extract_strided_slice %scan3A_111#0 {offsets = [6], sizes = [1], strides = [1]} : vector<16xf32> to vector<1xf32>
    %squeeze3A_148 = vector.extract %slice3A_147[0] : f32 from vector<1xf32>
    %add3A_149 = arith.addf %add3A_143, %squeeze3A_148 : f32
    %slice3A_150 = vector.extract_strided_slice %scan3A_111#1 {offsets = [6], sizes = [1], strides = [1]} : vector<16xf32> to vector<1xf32>
    %squeeze3A_151 = vector.extract %slice3A_150[0] : f32 from vector<1xf32>
    %add3A_152 = arith.addf %add3A_146, %squeeze3A_151 : f32
    %slice3A_153 = vector.extract_strided_slice %scan3A_111#0 {offsets = [7], sizes = [1], strides = [1]} : vector<16xf32> to vector<1xf32>
    %squeeze3A_154 = vector.extract %slice3A_153[0] : f32 from vector<1xf32>
    %add3A_155 = arith.addf %add3A_149, %squeeze3A_154 : f32
    %slice3A_156 = vector.extract_strided_slice %scan3A_111#1 {offsets = [7], sizes = [1], strides = [1]} : vector<16xf32> to vector<1xf32>
    %squeeze3A_157 = vector.extract %slice3A_156[0] : f32 from vector<1xf32>
    %add3A_158 = arith.addf %add3A_152, %squeeze3A_157 : f32
    %slice3A_159 = vector.extract_strided_slice %scan3A_111#0 {offsets = [8], sizes = [1], strides = [1]} : vector<16xf32> to vector<1xf32>
    %squeeze3A_160 = vector.extract %slice3A_159[0] : f32 from vector<1xf32>
    %add3A_161 = arith.addf %add3A_155, %squeeze3A_160 : f32
    %slice3A_162 = vector.extract_strided_slice %scan3A_111#1 {offsets = [8], sizes = [1], strides = [1]} : vector<16xf32> to vector<1xf32>
    %squeeze3A_163 = vector.extract %slice3A_162[0] : f32 from vector<1xf32>
    %add3A_164 = arith.addf %add3A_158, %squeeze3A_163 : f32
    %slice3A_165 = vector.extract_strided_slice %scan3A_111#0 {offsets = [9], sizes = [1], strides = [1]} : vector<16xf32> to vector<1xf32>
    %squeeze3A_166 = vector.extract %slice3A_165[0] : f32 from vector<1xf32>
    %add3A_167 = arith.addf %add3A_161, %squeeze3A_166 : f32
    %slice3A_168 = vector.extract_strided_slice %scan3A_111#1 {offsets = [9], sizes = [1], strides = [1]} : vector<16xf32> to vector<1xf32>
    %squeeze3A_169 = vector.extract %slice3A_168[0] : f32 from vector<1xf32>
    %add3A_170 = arith.addf %add3A_164, %squeeze3A_169 : f32
    %slice3A_171 = vector.extract_strided_slice %scan3A_111#0 {offsets = [10], sizes = [1], strides = [1]} : vector<16xf32> to vector<1xf32>
    %squeeze3A_172 = vector.extract %slice3A_171[0] : f32 from vector<1xf32>
    %add3A_173 = arith.addf %add3A_167, %squeeze3A_172 : f32
    %slice3A_174 = vector.extract_strided_slice %scan3A_111#1 {offsets = [10], sizes = [1], strides = [1]} : vector<16xf32> to vector<1xf32>
    %squeeze3A_175 = vector.extract %slice3A_174[0] : f32 from vector<1xf32>
    %add3A_176 = arith.addf %add3A_170, %squeeze3A_175 : f32
    %slice3A_177 = vector.extract_strided_slice %scan3A_111#0 {offsets = [11], sizes = [1], strides = [1]} : vector<16xf32> to vector<1xf32>
    %squeeze3A_178 = vector.extract %slice3A_177[0] : f32 from vector<1xf32>
    %add3A_179 = arith.addf %add3A_173, %squeeze3A_178 : f32
    %slice3A_180 = vector.extract_strided_slice %scan3A_111#1 {offsets = [11], sizes = [1], strides = [1]} : vector<16xf32> to vector<1xf32>
    %squeeze3A_181 = vector.extract %slice3A_180[0] : f32 from vector<1xf32>
    %add3A_182 = arith.addf %add3A_176, %squeeze3A_181 : f32
    %slice3A_183 = vector.extract_strided_slice %scan3A_111#0 {offsets = [12], sizes = [1], strides = [1]} : vector<16xf32> to vector<1xf32>
    %squeeze3A_184 = vector.extract %slice3A_183[0] : f32 from vector<1xf32>
    %add3A_185 = arith.addf %add3A_179, %squeeze3A_184 : f32
    %slice3A_186 = vector.extract_strided_slice %scan3A_111#1 {offsets = [12], sizes = [1], strides = [1]} : vector<16xf32> to vector<1xf32>
    %squeeze3A_187 = vector.extract %slice3A_186[0] : f32 from vector<1xf32>
    %add3A_188 = arith.addf %add3A_182, %squeeze3A_187 : f32
    %slice3A_189 = vector.extract_strided_slice %scan3A_111#0 {offsets = [13], sizes = [1], strides = [1]} : vector<16xf32> to vector<1xf32>
    %squeeze3A_190 = vector.extract %slice3A_189[0] : f32 from vector<1xf32>
    %add3A_191 = arith.addf %add3A_185, %squeeze3A_190 : f32
    %slice3A_192 = vector.extract_strided_slice %scan3A_111#1 {offsets = [13], sizes = [1], strides = [1]} : vector<16xf32> to vector<1xf32>
    %squeeze3A_193 = vector.extract %slice3A_192[0] : f32 from vector<1xf32>
    %add3A_194 = arith.addf %add3A_188, %squeeze3A_193 : f32
    %slice3A_195 = vector.extract_strided_slice %scan3A_111#0 {offsets = [14], sizes = [1], strides = [1]} : vector<16xf32> to vector<1xf32>
    %squeeze3A_196 = vector.extract %slice3A_195[0] : f32 from vector<1xf32>
    %add3A_197 = arith.addf %add3A_191, %squeeze3A_196 : f32
    %slice3A_198 = vector.extract_strided_slice %scan3A_111#1 {offsets = [14], sizes = [1], strides = [1]} : vector<16xf32> to vector<1xf32>
    %squeeze3A_199 = vector.extract %slice3A_198[0] : f32 from vector<1xf32>
    %add3A_200 = arith.addf %add3A_194, %squeeze3A_199 : f32
    %slice3A_201 = vector.extract_strided_slice %scan3A_111#0 {offsets = [15], sizes = [1], strides = [1]} : vector<16xf32> to vector<1xf32>
    %squeeze3A_202 = vector.extract %slice3A_201[0] : f32 from vector<1xf32>
    %add3A_203 = arith.addf %add3A_197, %squeeze3A_202 : f32
    %slice3A_204 = vector.extract_strided_slice %scan3A_111#1 {offsets = [15], sizes = [1], strides = [1]} : vector<16xf32> to vector<1xf32>
    %squeeze3A_205 = vector.extract %slice3A_204[0] : f32 from vector<1xf32>
    %add3A_206 = arith.addf %add3A_200, %squeeze3A_205 : f32
    %eq3A_207 = arith.constant 0 : i32
    %eq3A_208 = vector.broadcast %eq3A_207 : i32 to vector<16xi32>
    %eq3A_209 = arith.cmpi eq, %iota3A, %eq3A_208 : vector<16xi32>
    %eq3A_210 = arith.constant 1 : i32
    %eq3A_211 = vector.broadcast %eq3A_210 : i32 to vector<16xi32>
    %eq3A_212 = arith.cmpi eq, %iota3A, %eq3A_211 : vector<16xi32>
    %eq3A_213 = arith.constant 2 : i32
    %eq3A_214 = vector.broadcast %eq3A_213 : i32 to vector<16xi32>
    %eq3A_215 = arith.cmpi eq, %iota3A, %eq3A_214 : vector<16xi32>
    %jit3A_216 = arith.constant 0.000000e+00 : f32
    %broadcast_in_dim3A_217 = vector.broadcast %add3A_206 : f32 to vector<16xf32>
    %broadcast_in_dim3A_218 = vector.broadcast %jit3A_216 : f32 to vector<16xf32>
    %select_n3A_219 = arith.select %eq3A_215, %broadcast_in_dim3A_217, %broadcast_in_dim3A_218 : vector<16xi1>, vector<16xf32>
    %broadcast_in_dim3A_220 = vector.broadcast %add3A_203 : f32 to vector<16xf32>
    %select_n3A_221 = arith.select %eq3A_212, %broadcast_in_dim3A_220, %select_n3A_219 : vector<16xi1>, vector<16xf32>
    %broadcast_in_dim3A_222 = vector.broadcast %max3A_54 : f32 to vector<16xf32>
    %select_n3A_223 = arith.select %eq3A_209, %broadcast_in_dim3A_222, %select_n3A_221 : vector<16xi1>, vector<16xf32>
    %swap3A = arith.constant 0 : index
    %swap3A_224 = tpu.vector_load %arg6[%swap3A] {strides = array<i32>} : memref<16xf32, #tpu.memory_space<vmem>>, vector<16xf32>,
    %swap3A_225 = vector.shape_cast %swap3A_224 : vector<16xf32> to vector<16xf32>
    %swap3A_226 = vector.shape_cast %select_n3A_223 : vector<16xf32> to vector<16xf32>
    tpu.vector_store %arg6[%swap3A], %swap3A_226 {strides = array<i32>} : memref<16xf32, #tpu.memory_space<vmem>>, vector<16xf32>,
    %eq3A_227 = arith.constant 0 : i32
    %eq3A_228 = vector.broadcast %eq3A_227 : i32 to vector<16xi32>
    %eq3A_229 = arith.cmpi eq, %iota3A, %eq3A_228 : vector<16xi32>
    %jit3A_230 = arith.constant 0 : i32
    %broadcast_in_dim3A_231 = vector.broadcast %min3A_102 : i32 to vector<16xi32>
    %broadcast_in_dim3A_232 = vector.broadcast %jit3A_230 : i32 to vector<16xi32>
    %select_n3A_233 = arith.select %eq3A_229, %broadcast_in_dim3A_231, %broadcast_in_dim3A_232 : vector<16xi1>, vector<16xi32>
    %swap3A_234 = arith.constant 0 : index
    %swap3A_235 = tpu.vector_load %arg7[%swap3A_234] {strides = array<i32>} : memref<16xi32, #tpu.memory_space<vmem>>, vector<16xi32>,
    %swap3A_236 = vector.shape_cast %swap3A_235 : vector<16xi32> to vector<16xi32>
    %swap3A_237 = vector.shape_cast %select_n3A_233 : vector<16xi32> to vector<16xi32>
    tpu.vector_store %arg7[%swap3A_234], %swap3A_237 {strides = array<i32>} : memref<16xi32, #tpu.memory_space<vmem>>, vector<16xi32>,
    %mul3A_238 = arith.constant 16 : i32
    %mul3A_239 = arith.muli %add3A, %mul3A_238 : i32
    "tpu.region"() ({
      %run_scoped3A = tpu.sem_alloc : memref<!tpu.dma_semaphore, #tpu.memory_space<semaphore_mem>>
      %dma_start3A = tpu.memref_slice %arg3[%mul3A_239] : memref<512xf32, #tpu.memory_space<hbm>> -> memref<16xf32, #tpu.memory_space<hbm>>
      %dma_start3A_242 = tpu.memref_slice %arg3[%mul3A_239] : memref<512xf32, #tpu.memory_space<hbm>> -> memref<16xf32, #tpu.memory_space<hbm>>
      tpu.enqueue_dma source(%arg6 : memref<16xf32, #tpu.memory_space<vmem>>) target(%dma_start3A_242 : memref<16xf32, #tpu.memory_space<hbm>>) target_semaphore(%run_scoped3A : memref<!tpu.dma_semaphore, #tpu.memory_space<semaphore_mem>>)
      %dma_wait3A = tpu.memref_slice %arg3[%mul3A_239] : memref<512xf32, #tpu.memory_space<hbm>> -> memref<16xf32, #tpu.memory_space<hbm>>
      %dma_wait3A_243 = tpu.memref_slice %arg3[%mul3A_239] : memref<512xf32, #tpu.memory_space<hbm>> -> memref<16xf32, #tpu.memory_space<hbm>>
      tpu.wait_dma2 semaphore(%run_scoped3A : memref<!tpu.dma_semaphore, #tpu.memory_space<semaphore_mem>>) src(%arg6 : memref<16xf32, #tpu.memory_space<vmem>>) dst(%dma_wait3A_243 : memref<16xf32, #tpu.memory_space<hbm>>)
      tpu.yield
    }) : () -> ()
    %mul3A_240 = arith.constant 16 : i32
    %mul3A_241 = arith.muli %add3A, %mul3A_240 : i32
    "tpu.region"() ({
      %run_scoped3A = tpu.sem_alloc : memref<!tpu.dma_semaphore, #tpu.memory_space<semaphore_mem>>
      %dma_start3A = tpu.memref_slice %arg4[%mul3A_241] : memref<512xi32, #tpu.memory_space<hbm>> -> memref<16xi32, #tpu.memory_space<hbm>>
      %dma_start3A_242 = tpu.memref_slice %arg4[%mul3A_241] : memref<512xi32, #tpu.memory_space<hbm>> -> memref<16xi32, #tpu.memory_space<hbm>>
      tpu.enqueue_dma source(%arg7 : memref<16xi32, #tpu.memory_space<vmem>>) target(%dma_start3A_242 : memref<16xi32, #tpu.memory_space<hbm>>) target_semaphore(%run_scoped3A : memref<!tpu.dma_semaphore, #tpu.memory_space<semaphore_mem>>)
      %dma_wait3A = tpu.memref_slice %arg4[%mul3A_241] : memref<512xi32, #tpu.memory_space<hbm>> -> memref<16xi32, #tpu.memory_space<hbm>>
      %dma_wait3A_243 = tpu.memref_slice %arg4[%mul3A_241] : memref<512xi32, #tpu.memory_space<hbm>> -> memref<16xi32, #tpu.memory_space<hbm>>
      tpu.wait_dma2 semaphore(%run_scoped3A : memref<!tpu.dma_semaphore, #tpu.memory_space<semaphore_mem>>) src(%arg7 : memref<16xi32, #tpu.memory_space<vmem>>) dst(%dma_wait3A_243 : memref<16xi32, #tpu.memory_space<hbm>>)
      tpu.yield
    }) : () -> ()
    return
  }
}

module attributes {stable_mosaic.version = 14 : i64} {
  func.func @_main_body(%arg0: i32, %arg1: memref<16x65536xf32, #tpu.memory_space<vmem>>, %arg2: memref<16x2048xf32, #tpu.memory_space<vmem>>, %arg3: memref<1024x2048xf32, #tpu.memory_space<vmem>>, %arg4: memref<1x1024xf32, #tpu.memory_space<vmem>>, %arg5: memref<1x1024xf32, #tpu.memory_space<vmem>>, %arg6: memref<1xf32, #tpu.memory_space<smem>>, %arg7: memref<1x16x1xi32, #tpu.memory_space<vmem>>, %arg8: memref<1x16x1xf32, #tpu.memory_space<vmem>>, %arg9: memref<1x1x6xi32, #tpu.memory_space<vmem>>, %arg10: memref<1x1xf32, #tpu.memory_space<vmem>>) attributes {dimension_semantics = [#tpu.dimension_semantics<arbitrary>], iteration_bounds = array<i64: 14>, scalar_prefetch = 0 : i64, scratch_operands = 0 : i64, tpu.core_type = #tpu.core_type<tc>, window_params = [{transform_indices = @transform_0, window_bounds = array<i64: 16, 65536>}, {transform_indices = @transform_1, window_bounds = array<i64: 16, 2048>}, {pipeline_mode = #tpu.pipeline_mode<synchronous>, transform_indices = @transform_2, window_bounds = array<i64: 1024, 2048>}, {pipeline_mode = #tpu.pipeline_mode<synchronous>, transform_indices = @transform_3, window_bounds = array<i64: 1, 1024>}, {pipeline_mode = #tpu.pipeline_mode<synchronous>, transform_indices = @transform_4, window_bounds = array<i64: 1, 1024>}, {transform_indices = @transform_5, window_bounds = array<i64: 1>}, {transform_indices = @transform_6, window_bounds = array<i64: 1, 16, 1>}, {transform_indices = @transform_7, window_bounds = array<i64: 1, 16, 1>}, {transform_indices = @transform_8, window_bounds = array<i64: 1, 1, 6>}, {pipeline_mode = #tpu.pipeline_mode<synchronous>, transform_indices = @transform_9, window_bounds = array<i64: 1, 1>}]} {
    %get3A = arith.constant 0 : index
    %get3A_0 = arith.constant 0 : index
    %get3A_1 = vector.load %arg1[%get3A, %get3A_0] : memref<16x65536xf32, #tpu.memory_space<vmem>>, vector<16x65536xf32>
    %reduce_max3A = arith.constant dense<0xFF800000> : vector<16xf32>
    %reduce_max3A_2 = vector.multi_reduction <maximumf>, %get3A_1, %reduce_max3A [1] : vector<16x65536xf32> to vector<16xf32>
    %broadcast_in_dim3A = vector.shape_cast %reduce_max3A_2 : vector<16xf32> to vector<16x1xf32>
    %iota3A = tpu.iota {dimensions = array<i32: 1>} : vector<16x65536xi32>
    %sub3A = vector.broadcast %broadcast_in_dim3A : vector<16x1xf32> to vector<16x65536xf32>
    %sub3A_3 = arith.subf %get3A_1, %sub3A : vector<16x65536xf32>
    %eq3A = arith.constant 0.000000e+00 : f32
    %eq3A_4 = vector.broadcast %eq3A : f32 to vector<16x65536xf32>
    %eq3A_5 = arith.cmpf oeq, %sub3A_3, %eq3A_4 : vector<16x65536xf32>
    %jit3A = arith.constant 65536 : i32
    %broadcast_in_dim3A_6 = vector.broadcast %jit3A : i32 to vector<16x65536xi32>
    %select_n3A = arith.select %eq3A_5, %iota3A, %broadcast_in_dim3A_6 : vector<16x65536xi1>, vector<16x65536xi32>
    %reduce_min3A = arith.constant dense<2147483647> : vector<16xi32>
    %reduce_min3A_7 = vector.multi_reduction <minsi>, %select_n3A, %reduce_min3A [1] : vector<16x65536xi32> to vector<16xi32>
    %broadcast_in_dim3A_8 = vector.shape_cast %reduce_min3A_7 : vector<16xi32> to vector<16x1xi32>
    %exp3A = math.exp %sub3A_3 : vector<16x65536xf32>
    %reduce_sum3A = arith.constant dense<0.000000e+00> : vector<16xf32>
    %reduce_sum3A_9 = vector.multi_reduction <add>, %exp3A, %reduce_sum3A [1] : vector<16x65536xf32> to vector<16xf32>
    %broadcast_in_dim3A_10 = vector.shape_cast %reduce_sum3A_9 : vector<16xf32> to vector<16x1xf32>
    %mul3A = arith.mulf %exp3A, %sub3A_3 : vector<16x65536xf32>
    %reduce_sum3A_11 = arith.constant dense<0.000000e+00> : vector<16xf32>
    %reduce_sum3A_12 = vector.multi_reduction <add>, %mul3A, %reduce_sum3A_11 [1] : vector<16x65536xf32> to vector<16xf32>
    %broadcast_in_dim3A_13 = vector.shape_cast %reduce_sum3A_12 : vector<16xf32> to vector<16x1xf32>
    %log3A = math.log %broadcast_in_dim3A_10 : vector<16x1xf32>
    %div3A = arith.divf %broadcast_in_dim3A_13, %broadcast_in_dim3A_10 : vector<16x1xf32>
    %sub3A_14 = arith.subf %log3A, %div3A : vector<16x1xf32>
    %mul3A_15 = arith.constant 0.0901684388 : f32
    %mul3A_16 = vector.broadcast %mul3A_15 : f32 to vector<16x1xf32>
    %mul3A_17 = arith.mulf %sub3A_14, %mul3A_16 : vector<16x1xf32>
    %get3A_18 = arith.constant 0 : index
    %get3A_19 = arith.constant 0 : index
    %get3A_20 = vector.load %arg2[%get3A_18, %get3A_19] : memref<16x2048xf32, #tpu.memory_space<vmem>>, vector<16x2048xf32>
    %get3A_21 = arith.constant 0 : index
    %get3A_22 = arith.constant 0 : index
    %get3A_23 = vector.load %arg3[%get3A_21, %get3A_22] : memref<1024x2048xf32, #tpu.memory_space<vmem>>, vector<1024x2048xf32>
    %dot_general3A = arith.constant dense<0.000000e+00> : vector<16x1024xf32>
    %dot_general3A_24 = tpu.matmul %get3A_20, %get3A_23, %dot_general3A {dimension_numbers = #tpu.dot_dimension_numbers<[1], [1], [0], [0], [0, 0, 1, 0], [], []>, transpose_lhs_hint = false} : vector<16x2048xf32>, vector<1024x2048xf32>, vector<16x1024xf32> -> vector<16x1024xf32>
    %get3A_25 = arith.constant 0 : index
    %get3A_26 = arith.constant 0 : index
    %get3A_27 = vector.load %arg4[%get3A_25, %get3A_26] : memref<1x1024xf32, #tpu.memory_space<vmem>>, vector<1x1024xf32>
    %add3A = vector.broadcast %get3A_27 : vector<1x1024xf32> to vector<16x1024xf32>
    %add3A_28 = arith.addf %dot_general3A_24, %add3A : vector<16x1024xf32>
    %mul3A_29 = arith.constant 5.000000e-01 : f32
    %mul3A_30 = vector.broadcast %mul3A_29 : f32 to vector<16x1024xf32>
    %mul3A_31 = arith.mulf %mul3A_30, %add3A_28 : vector<16x1024xf32>
    %mul3A_32 = arith.constant 0.707106769 : f32
    %mul3A_33 = vector.broadcast %mul3A_32 : f32 to vector<16x1024xf32>
    %mul3A_34 = arith.mulf %add3A_28, %mul3A_33 : vector<16x1024xf32>
    %erf3A = math.erf %mul3A_34 : vector<16x1024xf32>
    %add3A_35 = arith.constant 1.000000e+00 : f32
    %add3A_36 = vector.broadcast %add3A_35 : f32 to vector<16x1024xf32>
    %add3A_37 = arith.addf %add3A_36, %erf3A : vector<16x1024xf32>
    %mul3A_38 = arith.mulf %mul3A_31, %add3A_37 : vector<16x1024xf32>
    %get3A_39 = arith.constant 0 : index
    %get3A_40 = arith.constant 0 : index
    %get3A_41 = vector.load %arg5[%get3A_39, %get3A_40] : memref<1x1024xf32, #tpu.memory_space<vmem>>, vector<1x1024xf32>
    %mul3A_42 = vector.broadcast %get3A_41 : vector<1x1024xf32> to vector<16x1024xf32>
    %mul3A_43 = arith.mulf %mul3A_38, %mul3A_42 : vector<16x1024xf32>
    %reduce_sum3A_44 = arith.constant dense<0.000000e+00> : vector<16xf32>
    %reduce_sum3A_45 = vector.multi_reduction <add>, %mul3A_43, %reduce_sum3A_44 [1] : vector<16x1024xf32> to vector<16xf32>
    %broadcast_in_dim3A_46 = vector.shape_cast %reduce_sum3A_45 : vector<16xf32> to vector<16x1xf32>
    %get3A_47 = arith.constant 0 : index
    %get3A_48 = memref.load %arg6[%get3A_47] : memref<1xf32, #tpu.memory_space<smem>>
    %add3A_49 = vector.broadcast %get3A_48 : f32 to vector<16x1xf32>
    %add3A_50 = arith.addf %broadcast_in_dim3A_46, %add3A_49 : vector<16x1xf32>
    %logistic3A = arith.negf %add3A_50 : vector<16x1xf32>
    %logistic3A_51 = math.exp %logistic3A : vector<16x1xf32>
    %logistic3A_52 = arith.constant 1.000000e+00 : f32
    %logistic3A_53 = vector.broadcast %logistic3A_52 : f32 to vector<16x1xf32>
    %logistic3A_54 = arith.addf %logistic3A_53, %logistic3A_51 : vector<16x1xf32>
    %logistic3A_55 = arith.divf %logistic3A_53, %logistic3A_54 : vector<16x1xf32>
    %div3A_56 = arith.constant 4.000000e-01 : f32
    %div3A_57 = vector.broadcast %div3A_56 : f32 to vector<16x1xf32>
    %div3A_58 = arith.divf %div3A_57, %broadcast_in_dim3A_10 : vector<16x1xf32>
    %sub3A_59 = arith.constant 1.000000e+00 : f32
    %sub3A_60 = vector.broadcast %sub3A_59 : f32 to vector<16x1xf32>
    %sub3A_61 = arith.subf %sub3A_60, %mul3A_17 : vector<16x1xf32>
    %mul3A_62 = arith.constant 3.000000e-01 : f32
    %mul3A_63 = vector.broadcast %mul3A_62 : f32 to vector<16x1xf32>
    %mul3A_64 = arith.mulf %mul3A_63, %sub3A_61 : vector<16x1xf32>
    %add3A_65 = arith.addf %div3A_58, %mul3A_64 : vector<16x1xf32>
    %mul3A_66 = arith.constant 3.000000e-01 : f32
    %mul3A_67 = vector.broadcast %mul3A_66 : f32 to vector<16x1xf32>
    %mul3A_68 = arith.mulf %mul3A_67, %logistic3A_55 : vector<16x1xf32>
    %add3A_69 = arith.addf %add3A_65, %mul3A_68 : vector<16x1xf32>
    %reshape3A = vector.shape_cast %broadcast_in_dim3A_8 : vector<16x1xi32> to vector<1x16x1xi32>
    %swap3A = arith.constant 0 : index
    %swap3A_70 = arith.constant 0 : index
    %swap3A_71 = arith.constant 0 : index
    %swap3A_72 = vector.load %arg7[%swap3A, %swap3A_70, %swap3A_71] : memref<1x16x1xi32, #tpu.memory_space<vmem>>, vector<1x16x1xi32>
    tpu.vector_store %arg7[%swap3A, %swap3A_70, %swap3A_71], %reshape3A {strides = array<i32>} : memref<1x16x1xi32, #tpu.memory_space<vmem>>, vector<1x16x1xi32>,
    %reshape3A_73 = vector.shape_cast %add3A_69 : vector<16x1xf32> to vector<1x16x1xf32>
    %swap3A_74 = arith.constant 0 : index
    %swap3A_75 = arith.constant 0 : index
    %swap3A_76 = arith.constant 0 : index
    %swap3A_77 = vector.load %arg8[%swap3A_74, %swap3A_75, %swap3A_76] : memref<1x16x1xf32, #tpu.memory_space<vmem>>, vector<1x16x1xf32>
    tpu.vector_store %arg8[%swap3A_74, %swap3A_75, %swap3A_76], %reshape3A_73 {strides = array<i32>} : memref<1x16x1xf32, #tpu.memory_space<vmem>>, vector<1x16x1xf32>,
    %iota3A_78 = tpu.iota {dimensions = array<i32: 0>} : vector<8x8192xi32>
    %mul3A_79 = arith.constant 8192 : i32
    %mul3A_80 = vector.broadcast %mul3A_79 : i32 to vector<8x8192xi32>
    %mul3A_81 = arith.muli %iota3A_78, %mul3A_80 : vector<8x8192xi32>
    %iota3A_82 = tpu.iota {dimensions = array<i32: 1>} : vector<8x8192xi32>
    %add3A_83 = arith.addi %mul3A_81, %iota3A_82 : vector<8x8192xi32>
    %slice3A = vector.extract_strided_slice %get3A_1 {offsets = [7, 0], sizes = [1, 65536], strides = [1, 1]} : vector<16x65536xf32> to vector<1x65536xf32>
    %reshape3A_84 = vector.shape_cast %slice3A : vector<1x65536xf32> to vector<8x8192xf32>
    %reduce_max3A_85 = vector.shape_cast %reshape3A_84 : vector<8x8192xf32> to vector<1x8x8192xf32>
    %reduce_max3A_86 = arith.constant dense<0xFF800000> : vector<1xf32>
    %reduce_max3A_87 = vector.multi_reduction <maximumf>, %reduce_max3A_85, %reduce_max3A_86 [1, 2] : vector<1x8x8192xf32> to vector<1xf32>
    %reduce_max3A_88 = vector.shape_cast %reduce_max3A_87 : vector<1xf32> to vector<1x1x1xf32>
    %reduce_max3A_89 = vector.extract %reduce_max3A_88[0, 0, 0] : f32 from vector<1x1x1xf32>
    %eq3A_90 = vector.broadcast %reduce_max3A_89 : f32 to vector<8x8192xf32>
    %eq3A_91 = arith.cmpf oeq, %reshape3A_84, %eq3A_90 : vector<8x8192xf32>
    %jit3A_92 = arith.constant 65536 : i32
    %broadcast_in_dim3A_93 = vector.broadcast %jit3A_92 : i32 to vector<8x8192xi32>
    %select_n3A_94 = arith.select %eq3A_91, %add3A_83, %broadcast_in_dim3A_93 : vector<8x8192xi1>, vector<8x8192xi32>
    %reduce_min3A_95 = vector.shape_cast %select_n3A_94 : vector<8x8192xi32> to vector<1x8x8192xi32>
    %reduce_min3A_96 = arith.constant dense<2147483647> : vector<1xi32>
    %reduce_min3A_97 = vector.multi_reduction <minsi>, %reduce_min3A_95, %reduce_min3A_96 [1, 2] : vector<1x8x8192xi32> to vector<1xi32>
    %reduce_min3A_98 = vector.shape_cast %reduce_min3A_97 : vector<1xi32> to vector<1x1x1xi32>
    %reduce_min3A_99 = vector.extract %reduce_min3A_98[0, 0, 0] : i32 from vector<1x1x1xi32>
    %eq3A_100 = vector.broadcast %reduce_min3A_99 : i32 to vector<8x8192xi32>
    %eq3A_101 = arith.cmpi eq, %add3A_83, %eq3A_100 : vector<8x8192xi32>
    %jit3A_102 = arith.constant 0xFF800000 : f32
    %broadcast_in_dim3A_103 = vector.broadcast %jit3A_102 : f32 to vector<8x8192xf32>
    %select_n3A_104 = arith.select %eq3A_101, %broadcast_in_dim3A_103, %reshape3A_84 : vector<8x8192xi1>, vector<8x8192xf32>
    %reduce_max3A_105 = vector.shape_cast %select_n3A_104 : vector<8x8192xf32> to vector<1x8x8192xf32>
    %reduce_max3A_106 = arith.constant dense<0xFF800000> : vector<1xf32>
    %reduce_max3A_107 = vector.multi_reduction <maximumf>, %reduce_max3A_105, %reduce_max3A_106 [1, 2] : vector<1x8x8192xf32> to vector<1xf32>
    %reduce_max3A_108 = vector.shape_cast %reduce_max3A_107 : vector<1xf32> to vector<1x1x1xf32>
    %reduce_max3A_109 = vector.extract %reduce_max3A_108[0, 0, 0] : f32 from vector<1x1x1xf32>
    %eq3A_110 = vector.broadcast %reduce_max3A_109 : f32 to vector<8x8192xf32>
    %eq3A_111 = arith.cmpf oeq, %select_n3A_104, %eq3A_110 : vector<8x8192xf32>
    %jit3A_112 = arith.constant 65536 : i32
    %broadcast_in_dim3A_113 = vector.broadcast %jit3A_112 : i32 to vector<8x8192xi32>
    %select_n3A_114 = arith.select %eq3A_111, %add3A_83, %broadcast_in_dim3A_113 : vector<8x8192xi1>, vector<8x8192xi32>
    %reduce_min3A_115 = vector.shape_cast %select_n3A_114 : vector<8x8192xi32> to vector<1x8x8192xi32>
    %reduce_min3A_116 = arith.constant dense<2147483647> : vector<1xi32>
    %reduce_min3A_117 = vector.multi_reduction <minsi>, %reduce_min3A_115, %reduce_min3A_116 [1, 2] : vector<1x8x8192xi32> to vector<1xi32>
    %reduce_min3A_118 = vector.shape_cast %reduce_min3A_117 : vector<1xi32> to vector<1x1x1xi32>
    %reduce_min3A_119 = vector.extract %reduce_min3A_118[0, 0, 0] : i32 from vector<1x1x1xi32>
    %eq3A_120 = vector.broadcast %reduce_min3A_119 : i32 to vector<8x8192xi32>
    %eq3A_121 = arith.cmpi eq, %add3A_83, %eq3A_120 : vector<8x8192xi32>
    %jit3A_122 = arith.constant 0xFF800000 : f32
    %broadcast_in_dim3A_123 = vector.broadcast %jit3A_122 : f32 to vector<8x8192xf32>
    %select_n3A_124 = arith.select %eq3A_121, %broadcast_in_dim3A_123, %select_n3A_104 : vector<8x8192xi1>, vector<8x8192xf32>
    %reduce_max3A_125 = vector.shape_cast %select_n3A_124 : vector<8x8192xf32> to vector<1x8x8192xf32>
    %reduce_max3A_126 = arith.constant dense<0xFF800000> : vector<1xf32>
    %reduce_max3A_127 = vector.multi_reduction <maximumf>, %reduce_max3A_125, %reduce_max3A_126 [1, 2] : vector<1x8x8192xf32> to vector<1xf32>
    %reduce_max3A_128 = vector.shape_cast %reduce_max3A_127 : vector<1xf32> to vector<1x1x1xf32>
    %reduce_max3A_129 = vector.extract %reduce_max3A_128[0, 0, 0] : f32 from vector<1x1x1xf32>
    %eq3A_130 = vector.broadcast %reduce_max3A_129 : f32 to vector<8x8192xf32>
    %eq3A_131 = arith.cmpf oeq, %select_n3A_124, %eq3A_130 : vector<8x8192xf32>
    %jit3A_132 = arith.constant 65536 : i32
    %broadcast_in_dim3A_133 = vector.broadcast %jit3A_132 : i32 to vector<8x8192xi32>
    %select_n3A_134 = arith.select %eq3A_131, %add3A_83, %broadcast_in_dim3A_133 : vector<8x8192xi1>, vector<8x8192xi32>
    %reduce_min3A_135 = vector.shape_cast %select_n3A_134 : vector<8x8192xi32> to vector<1x8x8192xi32>
    %reduce_min3A_136 = arith.constant dense<2147483647> : vector<1xi32>
    %reduce_min3A_137 = vector.multi_reduction <minsi>, %reduce_min3A_135, %reduce_min3A_136 [1, 2] : vector<1x8x8192xi32> to vector<1xi32>
    %reduce_min3A_138 = vector.shape_cast %reduce_min3A_137 : vector<1xi32> to vector<1x1x1xi32>
    %reduce_min3A_139 = vector.extract %reduce_min3A_138[0, 0, 0] : i32 from vector<1x1x1xi32>
    %slice3A_140 = vector.extract_strided_slice %get3A_1 {offsets = [15, 0], sizes = [1, 65536], strides = [1, 1]} : vector<16x65536xf32> to vector<1x65536xf32>
    %reshape3A_141 = vector.shape_cast %slice3A_140 : vector<1x65536xf32> to vector<8x8192xf32>
    %reduce_max3A_142 = vector.shape_cast %reshape3A_141 : vector<8x8192xf32> to vector<1x8x8192xf32>
    %reduce_max3A_143 = arith.constant dense<0xFF800000> : vector<1xf32>
    %reduce_max3A_144 = vector.multi_reduction <maximumf>, %reduce_max3A_142, %reduce_max3A_143 [1, 2] : vector<1x8x8192xf32> to vector<1xf32>
    %reduce_max3A_145 = vector.shape_cast %reduce_max3A_144 : vector<1xf32> to vector<1x1x1xf32>
    %reduce_max3A_146 = vector.extract %reduce_max3A_145[0, 0, 0] : f32 from vector<1x1x1xf32>
    %eq3A_147 = vector.broadcast %reduce_max3A_146 : f32 to vector<8x8192xf32>
    %eq3A_148 = arith.cmpf oeq, %reshape3A_141, %eq3A_147 : vector<8x8192xf32>
    %jit3A_149 = arith.constant 65536 : i32
    %broadcast_in_dim3A_150 = vector.broadcast %jit3A_149 : i32 to vector<8x8192xi32>
    %select_n3A_151 = arith.select %eq3A_148, %add3A_83, %broadcast_in_dim3A_150 : vector<8x8192xi1>, vector<8x8192xi32>
    %reduce_min3A_152 = vector.shape_cast %select_n3A_151 : vector<8x8192xi32> to vector<1x8x8192xi32>
    %reduce_min3A_153 = arith.constant dense<2147483647> : vector<1xi32>
    %reduce_min3A_154 = vector.multi_reduction <minsi>, %reduce_min3A_152, %reduce_min3A_153 [1, 2] : vector<1x8x8192xi32> to vector<1xi32>
    %reduce_min3A_155 = vector.shape_cast %reduce_min3A_154 : vector<1xi32> to vector<1x1x1xi32>
    %reduce_min3A_156 = vector.extract %reduce_min3A_155[0, 0, 0] : i32 from vector<1x1x1xi32>
    %eq3A_157 = vector.broadcast %reduce_min3A_156 : i32 to vector<8x8192xi32>
    %eq3A_158 = arith.cmpi eq, %add3A_83, %eq3A_157 : vector<8x8192xi32>
    %jit3A_159 = arith.constant 0xFF800000 : f32
    %broadcast_in_dim3A_160 = vector.broadcast %jit3A_159 : f32 to vector<8x8192xf32>
    %select_n3A_161 = arith.select %eq3A_158, %broadcast_in_dim3A_160, %reshape3A_141 : vector<8x8192xi1>, vector<8x8192xf32>
    %reduce_max3A_162 = vector.shape_cast %select_n3A_161 : vector<8x8192xf32> to vector<1x8x8192xf32>
    %reduce_max3A_163 = arith.constant dense<0xFF800000> : vector<1xf32>
    %reduce_max3A_164 = vector.multi_reduction <maximumf>, %reduce_max3A_162, %reduce_max3A_163 [1, 2] : vector<1x8x8192xf32> to vector<1xf32>
    %reduce_max3A_165 = vector.shape_cast %reduce_max3A_164 : vector<1xf32> to vector<1x1x1xf32>
    %reduce_max3A_166 = vector.extract %reduce_max3A_165[0, 0, 0] : f32 from vector<1x1x1xf32>
    %eq3A_167 = vector.broadcast %reduce_max3A_166 : f32 to vector<8x8192xf32>
    %eq3A_168 = arith.cmpf oeq, %select_n3A_161, %eq3A_167 : vector<8x8192xf32>
    %jit3A_169 = arith.constant 65536 : i32
    %broadcast_in_dim3A_170 = vector.broadcast %jit3A_169 : i32 to vector<8x8192xi32>
    %select_n3A_171 = arith.select %eq3A_168, %add3A_83, %broadcast_in_dim3A_170 : vector<8x8192xi1>, vector<8x8192xi32>
    %reduce_min3A_172 = vector.shape_cast %select_n3A_171 : vector<8x8192xi32> to vector<1x8x8192xi32>
    %reduce_min3A_173 = arith.constant dense<2147483647> : vector<1xi32>
    %reduce_min3A_174 = vector.multi_reduction <minsi>, %reduce_min3A_172, %reduce_min3A_173 [1, 2] : vector<1x8x8192xi32> to vector<1xi32>
    %reduce_min3A_175 = vector.shape_cast %reduce_min3A_174 : vector<1xi32> to vector<1x1x1xi32>
    %reduce_min3A_176 = vector.extract %reduce_min3A_175[0, 0, 0] : i32 from vector<1x1x1xi32>
    %eq3A_177 = vector.broadcast %reduce_min3A_176 : i32 to vector<8x8192xi32>
    %eq3A_178 = arith.cmpi eq, %add3A_83, %eq3A_177 : vector<8x8192xi32>
    %jit3A_179 = arith.constant 0xFF800000 : f32
    %broadcast_in_dim3A_180 = vector.broadcast %jit3A_179 : f32 to vector<8x8192xf32>
    %select_n3A_181 = arith.select %eq3A_178, %broadcast_in_dim3A_180, %select_n3A_161 : vector<8x8192xi1>, vector<8x8192xf32>
    %reduce_max3A_182 = vector.shape_cast %select_n3A_181 : vector<8x8192xf32> to vector<1x8x8192xf32>
    %reduce_max3A_183 = arith.constant dense<0xFF800000> : vector<1xf32>
    %reduce_max3A_184 = vector.multi_reduction <maximumf>, %reduce_max3A_182, %reduce_max3A_183 [1, 2] : vector<1x8x8192xf32> to vector<1xf32>
    %reduce_max3A_185 = vector.shape_cast %reduce_max3A_184 : vector<1xf32> to vector<1x1x1xf32>
    %reduce_max3A_186 = vector.extract %reduce_max3A_185[0, 0, 0] : f32 from vector<1x1x1xf32>
    %eq3A_187 = vector.broadcast %reduce_max3A_186 : f32 to vector<8x8192xf32>
    %eq3A_188 = arith.cmpf oeq, %select_n3A_181, %eq3A_187 : vector<8x8192xf32>
    %jit3A_189 = arith.constant 65536 : i32
    %broadcast_in_dim3A_190 = vector.broadcast %jit3A_189 : i32 to vector<8x8192xi32>
    %select_n3A_191 = arith.select %eq3A_188, %add3A_83, %broadcast_in_dim3A_190 : vector<8x8192xi1>, vector<8x8192xi32>
    %reduce_min3A_192 = vector.shape_cast %select_n3A_191 : vector<8x8192xi32> to vector<1x8x8192xi32>
    %reduce_min3A_193 = arith.constant dense<2147483647> : vector<1xi32>
    %reduce_min3A_194 = vector.multi_reduction <minsi>, %reduce_min3A_192, %reduce_min3A_193 [1, 2] : vector<1x8x8192xi32> to vector<1xi32>
    %reduce_min3A_195 = vector.shape_cast %reduce_min3A_194 : vector<1xi32> to vector<1x1x1xi32>
    %reduce_min3A_196 = vector.extract %reduce_min3A_195[0, 0, 0] : i32 from vector<1x1x1xi32>
    %stack3A = vector.broadcast %reduce_min3A_99 : i32 to vector<1xi32>
    %stack3A_197 = vector.broadcast %reduce_min3A_119 : i32 to vector<1xi32>
    %stack3A_198 = vector.broadcast %reduce_min3A_139 : i32 to vector<1xi32>
    %stack3A_199 = vector.broadcast %reduce_min3A_156 : i32 to vector<1xi32>
    %stack3A_200 = vector.broadcast %reduce_min3A_176 : i32 to vector<1xi32>
    %stack3A_201 = vector.broadcast %reduce_min3A_196 : i32 to vector<1xi32>
    %stack3A_202 = tpu.concatenate %stack3A, %stack3A_197, %stack3A_198, %stack3A_199, %stack3A_200, %stack3A_201 in 0 : vector<1xi32>, vector<1xi32>, vector<1xi32>, vector<1xi32>, vector<1xi32>, vector<1xi32> -> vector<6xi32>
    %reshape3A_203 = vector.shape_cast %stack3A_202 : vector<6xi32> to vector<1x1x6xi32>
    %swap3A_204 = arith.constant 0 : index
    %swap3A_205 = arith.constant 0 : index
    %swap3A_206 = arith.constant 0 : index
    %swap3A_207 = vector.load %arg9[%swap3A_204, %swap3A_205, %swap3A_206] : memref<1x1x6xi32, #tpu.memory_space<vmem>>, vector<1x1x6xi32>
    tpu.vector_store %arg9[%swap3A_204, %swap3A_205, %swap3A_206], %reshape3A_203 {strides = array<i32>} : memref<1x1x6xi32, #tpu.memory_space<vmem>>, vector<1x1x6xi32>,
    %eq3A_208 = arith.constant 0 : i32
    %eq3A_209 = arith.cmpi eq, %arg0, %eq3A_208 : i32
    %convert_element_type3A = arith.extui %eq3A_209 : i1 to i32
    %cond3A = arith.constant 0 : i32
    %cond3A_210 = arith.cmpi ne, %convert_element_type3A, %cond3A : i32
    scf.if %cond3A_210 {
      %broadcast_in_dim3A_221 = arith.constant 0.000000e+00 : f32
      %broadcast_in_dim3A_222 = vector.broadcast %broadcast_in_dim3A_221 : f32 to vector<1x1xf32>
      %swap3A_223 = arith.constant 0 : index
      %swap3A_224 = arith.constant 0 : index
      %swap3A_225 = vector.load %arg10[%swap3A_223, %swap3A_224] : memref<1x1xf32, #tpu.memory_space<vmem>>, vector<1x1xf32>
      tpu.vector_store %arg10[%swap3A_223, %swap3A_224], %broadcast_in_dim3A_222 {strides = array<i32>} : memref<1x1xf32, #tpu.memory_space<vmem>>, vector<1x1xf32>,
    } else {
    }
    %get3A_211 = arith.constant 0 : index
    %get3A_212 = arith.constant 0 : index
    %get3A_213 = vector.load %arg10[%get3A_211, %get3A_212] : memref<1x1xf32, #tpu.memory_space<vmem>>, vector<1x1xf32>
    %reduce_sum3A_214 = arith.constant dense<0.000000e+00> : vector<1xf32>
    %reduce_sum3A_215 = vector.multi_reduction <add>, %add3A_69, %reduce_sum3A_214 [0] : vector<16x1xf32> to vector<1xf32>
    %broadcast_in_dim3A_216 = vector.shape_cast %reduce_sum3A_215 : vector<1xf32> to vector<1x1xf32>
    %add3A_217 = arith.addf %get3A_213, %broadcast_in_dim3A_216 : vector<1x1xf32>
    %swap3A_218 = arith.constant 0 : index
    %swap3A_219 = arith.constant 0 : index
    %swap3A_220 = vector.load %arg10[%swap3A_218, %swap3A_219] : memref<1x1xf32, #tpu.memory_space<vmem>>, vector<1x1xf32>
    tpu.vector_store %arg10[%swap3A_218, %swap3A_219], %add3A_217 {strides = array<i32>} : memref<1x1xf32, #tpu.memory_space<vmem>>, vector<1x1xf32>,
    return
  }
  func.func @transform_0(%arg0: i32) -> (i32, i32) {
    %c0_i32 = arith.constant 0 : i32
    %c0_i32_0 = arith.constant 0 : i32
    return %arg0, %c0_i32 : i32, i32
  }
  func.func @transform_1(%arg0: i32) -> (i32, i32) {
    %c0_i32 = arith.constant 0 : i32
    %c0_i32_0 = arith.constant 0 : i32
    return %arg0, %c0_i32 : i32, i32
  }
  func.func @transform_2(%arg0: i32) -> (i32, i32) {
    %c0_i32 = arith.constant 0 : i32
    %c0_i32_0 = arith.constant 0 : i32
    %c0_i32_1 = arith.constant 0 : i32
    return %c0_i32, %c0_i32_0 : i32, i32
  }
  func.func @transform_3(%arg0: i32) -> (i32, i32) {
    %c0_i32 = arith.constant 0 : i32
    %c0_i32_0 = arith.constant 0 : i32
    %c0_i32_1 = arith.constant 0 : i32
    return %c0_i32, %c0_i32_0 : i32, i32
  }
  func.func @transform_4(%arg0: i32) -> (i32, i32) {
    %c0_i32 = arith.constant 0 : i32
    %c0_i32_0 = arith.constant 0 : i32
    %c0_i32_1 = arith.constant 0 : i32
    return %c0_i32, %c0_i32_0 : i32, i32
  }
  func.func @transform_5(%arg0: i32) -> i32 {
    %c0_i32 = arith.constant 0 : i32
    %c0_i32_0 = arith.constant 0 : i32
    return %c0_i32 : i32
  }
  func.func @transform_6(%arg0: i32) -> (i32, i32, i32) {
    %c0_i32 = arith.constant 0 : i32
    %c0_i32_0 = arith.constant 0 : i32
    %c0_i32_1 = arith.constant 0 : i32
    return %arg0, %c0_i32, %c0_i32_0 : i32, i32, i32
  }
  func.func @transform_7(%arg0: i32) -> (i32, i32, i32) {
    %c0_i32 = arith.constant 0 : i32
    %c0_i32_0 = arith.constant 0 : i32
    %c0_i32_1 = arith.constant 0 : i32
    return %arg0, %c0_i32, %c0_i32_0 : i32, i32, i32
  }
  func.func @transform_8(%arg0: i32) -> (i32, i32, i32) {
    %c0_i32 = arith.constant 0 : i32
    %c0_i32_0 = arith.constant 0 : i32
    %c0_i32_1 = arith.constant 0 : i32
    return %arg0, %c0_i32, %c0_i32_0 : i32, i32, i32
  }
  func.func @transform_9(%arg0: i32) -> (i32, i32) {
    %c0_i32 = arith.constant 0 : i32
    %c0_i32_0 = arith.constant 0 : i32
    %c0_i32_1 = arith.constant 0 : i32
    return %c0_i32, %c0_i32_0 : i32, i32
  }
}

module attributes {stable_mosaic.version = 14 : i64} {
  func.func @_top3_tail_body(%arg0: i32, %arg1: memref<8x8192xf32, #tpu.memory_space<vmem>>, %arg2: memref<1x1x3xi32, #tpu.memory_space<vmem>>) attributes {dimension_semantics = [#tpu.dimension_semantics<arbitrary>], iteration_bounds = array<i64: 4>, scalar_prefetch = 0 : i64, scratch_operands = 0 : i64, tpu.core_type = #tpu.core_type<tc>, window_params = [{transform_indices = @transform_0, window_bounds = array<i64: 8, 8192>}, {transform_indices = @transform_1, window_bounds = array<i64: 1, 1, 3>}]} {
    %iota3A = tpu.iota {dimensions = array<i32: 0>} : vector<8x8192xi32>
    %mul3A = arith.constant 8192 : i32
    %mul3A_0 = vector.broadcast %mul3A : i32 to vector<8x8192xi32>
    %mul3A_1 = arith.muli %iota3A, %mul3A_0 : vector<8x8192xi32>
    %iota3A_2 = tpu.iota {dimensions = array<i32: 1>} : vector<8x8192xi32>
    %add3A = arith.addi %mul3A_1, %iota3A_2 : vector<8x8192xi32>
    %get3A = arith.constant 0 : index
    %get3A_3 = arith.constant 0 : index
    %get3A_4 = vector.load %arg1[%get3A, %get3A_3] : memref<8x8192xf32, #tpu.memory_space<vmem>>, vector<8x8192xf32>
    %reduce_max3A = vector.shape_cast %get3A_4 : vector<8x8192xf32> to vector<1x8x8192xf32>
    %reduce_max3A_5 = arith.constant dense<0xFF800000> : vector<1xf32>
    %reduce_max3A_6 = vector.multi_reduction <maximumf>, %reduce_max3A, %reduce_max3A_5 [1, 2] : vector<1x8x8192xf32> to vector<1xf32>
    %reduce_max3A_7 = vector.shape_cast %reduce_max3A_6 : vector<1xf32> to vector<1x1x1xf32>
    %reduce_max3A_8 = vector.extract %reduce_max3A_7[0, 0, 0] : f32 from vector<1x1x1xf32>
    %eq3A = vector.broadcast %reduce_max3A_8 : f32 to vector<8x8192xf32>
    %eq3A_9 = arith.cmpf oeq, %get3A_4, %eq3A : vector<8x8192xf32>
    %jit3A = arith.constant 65536 : i32
    %broadcast_in_dim3A = vector.broadcast %jit3A : i32 to vector<8x8192xi32>
    %select_n3A = arith.select %eq3A_9, %add3A, %broadcast_in_dim3A : vector<8x8192xi1>, vector<8x8192xi32>
    %reduce_min3A = vector.shape_cast %select_n3A : vector<8x8192xi32> to vector<1x8x8192xi32>
    %reduce_min3A_10 = arith.constant dense<2147483647> : vector<1xi32>
    %reduce_min3A_11 = vector.multi_reduction <minsi>, %reduce_min3A, %reduce_min3A_10 [1, 2] : vector<1x8x8192xi32> to vector<1xi32>
    %reduce_min3A_12 = vector.shape_cast %reduce_min3A_11 : vector<1xi32> to vector<1x1x1xi32>
    %reduce_min3A_13 = vector.extract %reduce_min3A_12[0, 0, 0] : i32 from vector<1x1x1xi32>
    %eq3A_14 = vector.broadcast %reduce_min3A_13 : i32 to vector<8x8192xi32>
    %eq3A_15 = arith.cmpi eq, %add3A, %eq3A_14 : vector<8x8192xi32>
    %jit3A_16 = arith.constant 0xFF800000 : f32
    %broadcast_in_dim3A_17 = vector.broadcast %jit3A_16 : f32 to vector<8x8192xf32>
    %select_n3A_18 = arith.select %eq3A_15, %broadcast_in_dim3A_17, %get3A_4 : vector<8x8192xi1>, vector<8x8192xf32>
    %reduce_max3A_19 = vector.shape_cast %select_n3A_18 : vector<8x8192xf32> to vector<1x8x8192xf32>
    %reduce_max3A_20 = arith.constant dense<0xFF800000> : vector<1xf32>
    %reduce_max3A_21 = vector.multi_reduction <maximumf>, %reduce_max3A_19, %reduce_max3A_20 [1, 2] : vector<1x8x8192xf32> to vector<1xf32>
    %reduce_max3A_22 = vector.shape_cast %reduce_max3A_21 : vector<1xf32> to vector<1x1x1xf32>
    %reduce_max3A_23 = vector.extract %reduce_max3A_22[0, 0, 0] : f32 from vector<1x1x1xf32>
    %eq3A_24 = vector.broadcast %reduce_max3A_23 : f32 to vector<8x8192xf32>
    %eq3A_25 = arith.cmpf oeq, %select_n3A_18, %eq3A_24 : vector<8x8192xf32>
    %jit3A_26 = arith.constant 65536 : i32
    %broadcast_in_dim3A_27 = vector.broadcast %jit3A_26 : i32 to vector<8x8192xi32>
    %select_n3A_28 = arith.select %eq3A_25, %add3A, %broadcast_in_dim3A_27 : vector<8x8192xi1>, vector<8x8192xi32>
    %reduce_min3A_29 = vector.shape_cast %select_n3A_28 : vector<8x8192xi32> to vector<1x8x8192xi32>
    %reduce_min3A_30 = arith.constant dense<2147483647> : vector<1xi32>
    %reduce_min3A_31 = vector.multi_reduction <minsi>, %reduce_min3A_29, %reduce_min3A_30 [1, 2] : vector<1x8x8192xi32> to vector<1xi32>
    %reduce_min3A_32 = vector.shape_cast %reduce_min3A_31 : vector<1xi32> to vector<1x1x1xi32>
    %reduce_min3A_33 = vector.extract %reduce_min3A_32[0, 0, 0] : i32 from vector<1x1x1xi32>
    %eq3A_34 = vector.broadcast %reduce_min3A_33 : i32 to vector<8x8192xi32>
    %eq3A_35 = arith.cmpi eq, %add3A, %eq3A_34 : vector<8x8192xi32>
    %jit3A_36 = arith.constant 0xFF800000 : f32
    %broadcast_in_dim3A_37 = vector.broadcast %jit3A_36 : f32 to vector<8x8192xf32>
    %select_n3A_38 = arith.select %eq3A_35, %broadcast_in_dim3A_37, %select_n3A_18 : vector<8x8192xi1>, vector<8x8192xf32>
    %reduce_max3A_39 = vector.shape_cast %select_n3A_38 : vector<8x8192xf32> to vector<1x8x8192xf32>
    %reduce_max3A_40 = arith.constant dense<0xFF800000> : vector<1xf32>
    %reduce_max3A_41 = vector.multi_reduction <maximumf>, %reduce_max3A_39, %reduce_max3A_40 [1, 2] : vector<1x8x8192xf32> to vector<1xf32>
    %reduce_max3A_42 = vector.shape_cast %reduce_max3A_41 : vector<1xf32> to vector<1x1x1xf32>
    %reduce_max3A_43 = vector.extract %reduce_max3A_42[0, 0, 0] : f32 from vector<1x1x1xf32>
    %eq3A_44 = vector.broadcast %reduce_max3A_43 : f32 to vector<8x8192xf32>
    %eq3A_45 = arith.cmpf oeq, %select_n3A_38, %eq3A_44 : vector<8x8192xf32>
    %jit3A_46 = arith.constant 65536 : i32
    %broadcast_in_dim3A_47 = vector.broadcast %jit3A_46 : i32 to vector<8x8192xi32>
    %select_n3A_48 = arith.select %eq3A_45, %add3A, %broadcast_in_dim3A_47 : vector<8x8192xi1>, vector<8x8192xi32>
    %reduce_min3A_49 = vector.shape_cast %select_n3A_48 : vector<8x8192xi32> to vector<1x8x8192xi32>
    %reduce_min3A_50 = arith.constant dense<2147483647> : vector<1xi32>
    %reduce_min3A_51 = vector.multi_reduction <minsi>, %reduce_min3A_49, %reduce_min3A_50 [1, 2] : vector<1x8x8192xi32> to vector<1xi32>
    %reduce_min3A_52 = vector.shape_cast %reduce_min3A_51 : vector<1xi32> to vector<1x1x1xi32>
    %reduce_min3A_53 = vector.extract %reduce_min3A_52[0, 0, 0] : i32 from vector<1x1x1xi32>
    %stack3A = vector.broadcast %reduce_min3A_13 : i32 to vector<1xi32>
    %stack3A_54 = vector.broadcast %reduce_min3A_33 : i32 to vector<1xi32>
    %stack3A_55 = vector.broadcast %reduce_min3A_53 : i32 to vector<1xi32>
    %stack3A_56 = tpu.concatenate %stack3A, %stack3A_54, %stack3A_55 in 0 : vector<1xi32>, vector<1xi32>, vector<1xi32> -> vector<3xi32>
    %reshape3A = vector.shape_cast %stack3A_56 : vector<3xi32> to vector<1x1x3xi32>
    %swap3A = arith.constant 0 : index
    %swap3A_57 = arith.constant 0 : index
    %swap3A_58 = arith.constant 0 : index
    %swap3A_59 = vector.load %arg2[%swap3A, %swap3A_57, %swap3A_58] : memref<1x1x3xi32, #tpu.memory_space<vmem>>, vector<1x1x3xi32>
    tpu.vector_store %arg2[%swap3A, %swap3A_57, %swap3A_58], %reshape3A {strides = array<i32>} : memref<1x1x3xi32, #tpu.memory_space<vmem>>, vector<1x1x3xi32>,
    return
  }
  func.func @transform_0(%arg0: i32) -> (i32, i32) {
    %add3A = arith.constant 28 : i32
    %add3A_0 = arith.addi %add3A, %arg0 : i32
    %mul3A = arith.constant 8 : i32
    %mul3A_1 = arith.muli %mul3A, %add3A_0 : i32
    %add3A_2 = arith.constant 7 : i32
    %add3A_3 = arith.addi %mul3A_1, %add3A_2 : i32
    %c0_i32 = arith.constant 0 : i32
    %c0_i32_4 = arith.constant 0 : i32
    return %add3A_3, %c0_i32 : i32, i32
  }
  func.func @transform_1(%arg0: i32) -> (i32, i32, i32) {
    %c0_i32 = arith.constant 0 : i32
    %c0_i32_0 = arith.constant 0 : i32
    %c0_i32_1 = arith.constant 0 : i32
    return %arg0, %c0_i32, %c0_i32_0 : i32, i32, i32
  }
}

module attributes {stable_mosaic.version = 14 : i64} {
  func.func @_combine_body(%arg0: memref<32x2048xf32, #tpu.memory_space<vmem>>, %arg1: memref<1024x2048xf32, #tpu.memory_space<vmem>>, %arg2: memref<1x1024xf32, #tpu.memory_space<vmem>>, %arg3: memref<1x1024xf32, #tpu.memory_space<vmem>>, %arg4: memref<1xf32, #tpu.memory_space<smem>>, %arg5: memref<32x16xf32, #tpu.memory_space<vmem>>, %arg6: memref<32x16xi32, #tpu.memory_space<vmem>>, %arg7: memref<1x1xf32, #tpu.memory_space<vmem>>, %arg8: memref<28x3xi32, #tpu.memory_space<vmem>>, %arg9: memref<4x3xi32, #tpu.memory_space<vmem>>, %arg10: memref<32x1xi32, #tpu.memory_space<vmem>>, %arg11: memref<32x1xf32, #tpu.memory_space<vmem>>, %arg12: memref<1x1xf32, #tpu.memory_space<vmem>>, %arg13: memref<32x3xi32, #tpu.memory_space<vmem>>) attributes {dimension_semantics = [], scalar_prefetch = 0 : i64, scratch_operands = 0 : i64, tpu.core_type = #tpu.core_type<tc>} {
    %get3A = arith.constant 0 : index
    %get3A_0 = arith.constant 1 : index
    %get3A_1 = vector.load %arg5[%get3A, %get3A_0] : memref<32x16xf32, #tpu.memory_space<vmem>>, vector<32x1xf32>
    %get3A_2 = arith.constant 0 : index
    %get3A_3 = arith.constant 2 : index
    %get3A_4 = vector.load %arg5[%get3A_2, %get3A_3] : memref<32x16xf32, #tpu.memory_space<vmem>>, vector<32x1xf32>
    %log3A = math.log %get3A_1 : vector<32x1xf32>
    %div3A = arith.divf %get3A_4, %get3A_1 : vector<32x1xf32>
    %sub3A = arith.subf %log3A, %div3A : vector<32x1xf32>
    %mul3A = arith.constant 0.0901684388 : f32
    %mul3A_5 = vector.broadcast %mul3A : f32 to vector<32x1xf32>
    %mul3A_6 = arith.mulf %sub3A, %mul3A_5 : vector<32x1xf32>
    %get3A_7 = arith.constant 0 : index
    %get3A_8 = arith.constant 0 : index
    %get3A_9 = vector.load %arg0[%get3A_7, %get3A_8] : memref<32x2048xf32, #tpu.memory_space<vmem>>, vector<32x2048xf32>
    %get3A_10 = arith.constant 0 : index
    %get3A_11 = arith.constant 0 : index
    %get3A_12 = vector.load %arg1[%get3A_10, %get3A_11] : memref<1024x2048xf32, #tpu.memory_space<vmem>>, vector<1024x2048xf32>
    %dot_general3A = arith.constant dense<0.000000e+00> : vector<32x1024xf32>
    %dot_general3A_13 = tpu.matmul %get3A_9, %get3A_12, %dot_general3A {dimension_numbers = #tpu.dot_dimension_numbers<[1], [1], [0], [0], [0, 0, 1, 0], [], []>, transpose_lhs_hint = false} : vector<32x2048xf32>, vector<1024x2048xf32>, vector<32x1024xf32> -> vector<32x1024xf32>
    %get3A_14 = arith.constant 0 : index
    %get3A_15 = arith.constant 0 : index
    %get3A_16 = vector.load %arg2[%get3A_14, %get3A_15] : memref<1x1024xf32, #tpu.memory_space<vmem>>, vector<1x1024xf32>
    %add3A = vector.broadcast %get3A_16 : vector<1x1024xf32> to vector<32x1024xf32>
    %add3A_17 = arith.addf %dot_general3A_13, %add3A : vector<32x1024xf32>
    %mul3A_18 = arith.constant 5.000000e-01 : f32
    %mul3A_19 = vector.broadcast %mul3A_18 : f32 to vector<32x1024xf32>
    %mul3A_20 = arith.mulf %mul3A_19, %add3A_17 : vector<32x1024xf32>
    %mul3A_21 = arith.constant 0.707106769 : f32
    %mul3A_22 = vector.broadcast %mul3A_21 : f32 to vector<32x1024xf32>
    %mul3A_23 = arith.mulf %add3A_17, %mul3A_22 : vector<32x1024xf32>
    %erf3A = math.erf %mul3A_23 : vector<32x1024xf32>
    %add3A_24 = arith.constant 1.000000e+00 : f32
    %add3A_25 = vector.broadcast %add3A_24 : f32 to vector<32x1024xf32>
    %add3A_26 = arith.addf %add3A_25, %erf3A : vector<32x1024xf32>
    %mul3A_27 = arith.mulf %mul3A_20, %add3A_26 : vector<32x1024xf32>
    %get3A_28 = arith.constant 0 : index
    %get3A_29 = arith.constant 0 : index
    %get3A_30 = vector.load %arg3[%get3A_28, %get3A_29] : memref<1x1024xf32, #tpu.memory_space<vmem>>, vector<1x1024xf32>
    %mul3A_31 = vector.broadcast %get3A_30 : vector<1x1024xf32> to vector<32x1024xf32>
    %mul3A_32 = arith.mulf %mul3A_27, %mul3A_31 : vector<32x1024xf32>
    %reduce_sum3A = arith.constant dense<0.000000e+00> : vector<32xf32>
    %reduce_sum3A_33 = vector.multi_reduction <add>, %mul3A_32, %reduce_sum3A [1] : vector<32x1024xf32> to vector<32xf32>
    %broadcast_in_dim3A = vector.shape_cast %reduce_sum3A_33 : vector<32xf32> to vector<32x1xf32>
    %get3A_34 = arith.constant 0 : index
    %get3A_35 = memref.load %arg4[%get3A_34] : memref<1xf32, #tpu.memory_space<smem>>
    %add3A_36 = vector.broadcast %get3A_35 : f32 to vector<32x1xf32>
    %add3A_37 = arith.addf %broadcast_in_dim3A, %add3A_36 : vector<32x1xf32>
    %logistic3A = arith.negf %add3A_37 : vector<32x1xf32>
    %logistic3A_38 = math.exp %logistic3A : vector<32x1xf32>
    %logistic3A_39 = arith.constant 1.000000e+00 : f32
    %logistic3A_40 = vector.broadcast %logistic3A_39 : f32 to vector<32x1xf32>
    %logistic3A_41 = arith.addf %logistic3A_40, %logistic3A_38 : vector<32x1xf32>
    %logistic3A_42 = arith.divf %logistic3A_40, %logistic3A_41 : vector<32x1xf32>
    %div3A_43 = arith.constant 4.000000e-01 : f32
    %div3A_44 = vector.broadcast %div3A_43 : f32 to vector<32x1xf32>
    %div3A_45 = arith.divf %div3A_44, %get3A_1 : vector<32x1xf32>
    %sub3A_46 = arith.constant 1.000000e+00 : f32
    %sub3A_47 = vector.broadcast %sub3A_46 : f32 to vector<32x1xf32>
    %sub3A_48 = arith.subf %sub3A_47, %mul3A_6 : vector<32x1xf32>
    %mul3A_49 = arith.constant 3.000000e-01 : f32
    %mul3A_50 = vector.broadcast %mul3A_49 : f32 to vector<32x1xf32>
    %mul3A_51 = arith.mulf %mul3A_50, %sub3A_48 : vector<32x1xf32>
    %add3A_52 = arith.addf %div3A_45, %mul3A_51 : vector<32x1xf32>
    %mul3A_53 = arith.constant 3.000000e-01 : f32
    %mul3A_54 = vector.broadcast %mul3A_53 : f32 to vector<32x1xf32>
    %mul3A_55 = arith.mulf %mul3A_54, %logistic3A_42 : vector<32x1xf32>
    %add3A_56 = arith.addf %add3A_52, %mul3A_55 : vector<32x1xf32>
    %get3A_57 = arith.constant 0 : index
    %get3A_58 = arith.constant 0 : index
    %get3A_59 = vector.load %arg6[%get3A_57, %get3A_58] : memref<32x16xi32, #tpu.memory_space<vmem>>, vector<32x1xi32>
    %swap3A = arith.constant 0 : index
    %swap3A_60 = arith.constant 0 : index
    %swap3A_61 = vector.load %arg10[%swap3A, %swap3A_60] : memref<32x1xi32, #tpu.memory_space<vmem>>, vector<32x1xi32>
    tpu.vector_store %arg10[%swap3A, %swap3A_60], %get3A_59 {strides = array<i32>} : memref<32x1xi32, #tpu.memory_space<vmem>>, vector<32x1xi32>,
    %swap3A_62 = arith.constant 0 : index
    %swap3A_63 = arith.constant 0 : index
    %swap3A_64 = vector.load %arg11[%swap3A_62, %swap3A_63] : memref<32x1xf32, #tpu.memory_space<vmem>>, vector<32x1xf32>
    tpu.vector_store %arg11[%swap3A_62, %swap3A_63], %add3A_56 {strides = array<i32>} : memref<32x1xf32, #tpu.memory_space<vmem>>, vector<32x1xf32>,
    %get3A_65 = arith.constant 0 : index
    %get3A_66 = arith.constant 0 : index
    %get3A_67 = vector.load %arg7[%get3A_65, %get3A_66] : memref<1x1xf32, #tpu.memory_space<vmem>>, vector<1x1xf32>
    %reduce_sum3A_68 = arith.constant dense<0.000000e+00> : vector<1xf32>
    %reduce_sum3A_69 = vector.multi_reduction <add>, %add3A_56, %reduce_sum3A_68 [0] : vector<32x1xf32> to vector<1xf32>
    %broadcast_in_dim3A_70 = vector.shape_cast %reduce_sum3A_69 : vector<1xf32> to vector<1x1xf32>
    %add3A_71 = arith.addf %get3A_67, %broadcast_in_dim3A_70 : vector<1x1xf32>
    %mul3A_72 = arith.constant 3.906250e-03 : f32
    %mul3A_73 = vector.broadcast %mul3A_72 : f32 to vector<1x1xf32>
    %mul3A_74 = arith.mulf %add3A_71, %mul3A_73 : vector<1x1xf32>
    %swap3A_75 = arith.constant 0 : index
    %swap3A_76 = arith.constant 0 : index
    %swap3A_77 = vector.load %arg12[%swap3A_75, %swap3A_76] : memref<1x1xf32, #tpu.memory_space<vmem>>, vector<1x1xf32>
    tpu.vector_store %arg12[%swap3A_75, %swap3A_76], %mul3A_74 {strides = array<i32>} : memref<1x1xf32, #tpu.memory_space<vmem>>, vector<1x1xf32>,
    %lt3A = arith.constant 0.699999988 : f32
    %lt3A_78 = vector.broadcast %lt3A : f32 to vector<1x1xf32>
    %lt3A_79 = arith.cmpf olt, %mul3A_74, %lt3A_78 : vector<1x1xf32>
    %convert_element_type3A = arith.extui %lt3A_79 : vector<1x1xi1> to vector<1x1xi32>
    %get3A_80 = arith.constant 0 : index
    %get3A_81 = arith.constant 0 : index
    %get3A_82 = vector.load %arg8[%get3A_80, %get3A_81] : memref<28x3xi32, #tpu.memory_space<vmem>>, vector<28x3xi32>
    %get3A_83 = arith.constant 0 : index
    %get3A_84 = arith.constant 0 : index
    %get3A_85 = vector.load %arg9[%get3A_83, %get3A_84] : memref<4x3xi32, #tpu.memory_space<vmem>>, vector<4x3xi32>
    %concatenate3A = tpu.concatenate %get3A_82, %get3A_85 in 0 : vector<28x3xi32>, vector<4x3xi32> -> vector<32x3xi32>
    %mul3A_86 = vector.broadcast %convert_element_type3A : vector<1x1xi32> to vector<32x3xi32>
    %mul3A_87 = arith.muli %concatenate3A, %mul3A_86 : vector<32x3xi32>
    %swap3A_88 = arith.constant 0 : index
    %swap3A_89 = arith.constant 0 : index
    %swap3A_90 = vector.load %arg13[%swap3A_88, %swap3A_89] : memref<32x3xi32, #tpu.memory_space<vmem>>, vector<32x3xi32>
    tpu.vector_store %arg13[%swap3A_88, %swap3A_89], %mul3A_87 {strides = array<i32>} : memref<32x3xi32, #tpu.memory_space<vmem>>, vector<32x3xi32>,
    return
  }
}

</mosaic_0001>

<sc_bundles>
// kernel: kernel.6.cloned.1.call-start
scs
__scs_entry_jumppad:
0x0: {  	(pc) =	sbr.rel $0x88, $3  }
0x1: {  	(tag) =	ssettag $0x0;
	lr =	simm.s32 $0x1  }
0x2: {  	[smem:$0x3F9B] =	sst lr;
	_ =	strace $0xD0000000  }
0x3: {  	_ = 	snop  }
0x4: {  	_ = 	snop  }
0x5: {  	_ = 	snop  }
0x6: {  	_ = 	snop  }
0x7: {  	_ = 	snop  }
__scs_overlays_trampoline_lowered:
0x8: {  	[smem:$0x3FAA] =	sst s0  }
0x9: {  	[smem:$0x3FAB] =	sst s1  }
0xa: {  	[smem:$0x3FAC] =	sst s2  }
0xb: {  	[smem:$0x3FAD] =	sst s3  }
0xc: {  	[smem:$0x3FAE] =	sst s4  }
0xd: {  	[smem:$0x3FAF] =	sst s5  }
0xe: {  	[smem:$0x3FB0] =	sst s6  }
0xf: {  	[smem:$0x3FB1] =	sst s7  }
0x10: {  	[smem:$0x3FB2] =	sst s8  }
0x11: {  	[smem:$0x3FB3] =	sst s9;
	s0 =	simm.s32 @!p0 $0x0  }
0x12: {  	s1 =	sld [smem:$0x3F99];
	s0 =	simm.s32 @p0 $0x1  }
0x13: {  	[smem:$0x3FB4] =	sst s0;
	s0 =	simm.s32 @!p1 $0x0  }
0x14: {  	s2 =	sld [smem:$0x3F98];
	s0 =	simm.s32 @p1 $0x1  }
0x15: {  	[smem:$0x3FB5] =	sst s0;
	s0 =	simm.s32 @!p2 $0x0  }
0x16: {  	s3 =	sld [smem:$0x3FDB];
	s0 =	simm.s32 @p2 $0x1  }
0x17: {  	s4 =	simm.s32 $0x1BF5;
	[smem:$0x3FB7] =	sst s0  }
0x18: {  	s0 =	sld [smem:$0x3F9A];
	_ =	swait.ge [sflag:s4], $0x0  }
0x19: {  	s7 =	sld [smem:$0x3F9B]  }
0x1a: {  	s8 =	sadd.s32 $0xFFFFE003, lr  }
0x1b: {  	s9 =	sadd.s32 $0xFFFFFEF7, lr;
	s5 =	simm.s32 $0xFFFFFFFF;
	p2 =	slt.u32 s8, $0xFFFFF086  }
0x1c: {  	p1 =	slt.u32 s9, $0xF7A;
	s5 =	simm.s32 @!p2 $0x0  }
0x1d: {  	s5 =	simm.s32 @p1 $0x1;
	p0 =	seq.s32 s7, s2  }
0x1e: {  	s7 =	smul.u32 @!p0 $0xF7A, s2;
	p2 =	seq.s32 @!p0 s5, $0x0  }
0x1f: {  	s9 =	smul.u32 $0xF7A, s1;
	s8 =	simm.s32 @!p0 $0x1BF5;
	p2 =	por !p2, p0  }
0x20: {  	[sflag:s8] =	ssyncset.s32 @!p0 $0xFFFFF086;
	s6 =	sadd.s32 @!p0 s3, s7;
	s7 =	simm.s32 @!p0 $0x108  }
0x21: {  	s3 =	sadd.s32 s3, s9;
	s6 =	sadd.s32 @!p0 $0x88, s6;
	s7 =	simm.s32 @p2 $0x1082  }
0x22: {  	[simem:s7], [sflag:s8] =	dma.local @!p0 [hbm:s6], $0xF7A  }
0x23: {  	s9 =	sor.u32 $0xD0000000, s2;
	s6 =	simm.s32 $0x108;
	_ =	swait.ge @!p0 [sflag:s8], $0x0  }
0x24: {  	s3 =	sadd.s32 $0x88, s3;
	s6 =	simm.s32 @!p1 $0x1082;
	[sflag:s4] =	ssyncset.s32 $0xFFFFF086  }
0x25: {  	[simem:s6], [sflag:s4] =	dma.local [hbm:s3], $0xF7A  }
0x26: {  	[smem:$0x3F9B] =	sst s1;
	(tag) =	ssettag s2;
	_ =	strace s9  }
0x27: {  	s1 =	sld [smem:$0x3FAB]  }
0x28: {  	s2 =	sld [smem:$0x3FAC]  }
0x29: {  	s4 =	sld [smem:$0x3FAE]  }
0x2a: {  	p0 =	seq.s32 s5, $0x0;
	s5 =	sld [smem:$0x3FAF]  }
0x2b: {  	s6 =	sld [smem:$0x3FB0]  }
0x2c: {  	s7 =	sld [smem:$0x3FB1]  }
0x2d: {  	s3 =	simm.s32 $0x108;
	s8 =	sld [smem:$0x3FB2]  }
0x2e: {  	s3 =	simm.s32 @!p0 $0x1082;
	s9 =	sld [smem:$0x3FB3]  }
0x2f: {  	lr =	sadd.s32 s0, s3;
	s0 =	sld [smem:$0x3FAA]  }
0x30: {  	s3 =	sld [smem:$0x3FAD]  }
0x31: {  	[smem:$0x3FB6] =	sst s10  }
0x32: {  	s10 =	sld [smem:$0x3FB4];
	_ =	sdelay $0x3  }
0x33: {  	p0 =	seq.s32 s10, $0x1;
	s10 =	sld [smem:$0x3FB6];
	_ =	sdelay $0x3  }
0x34: {  	[smem:$0x3FB6] =	sst s10  }
0x35: {  	s10 =	sld [smem:$0x3FB5];
	_ =	sdelay $0x3  }
0x36: {  	p1 =	seq.s32 s10, $0x1;
	s10 =	sld [smem:$0x3FB6];
	_ =	sdelay $0x3  }
0x37: {  	[smem:$0x3FB6] =	sst s10  }
0x38: {  	s10 =	sld [smem:$0x3FB7]  }
0x39: {  	_ = 	snop;
	(pc) =	sbr.ind lr, $3  }
0x3a: {  	_ = 	snop  }
0x3b: {  	_ = 	snop  }
0x3c: {  	p2 =	seq.s32 s10, $0x1;
	s10 =	sld [smem:$0x3FB6]  }
0x3d: {  	_ =	shalt  }
0x3e: {  	_ =	shalt  }
0x3f: {  	_ =	shalt  }
0x40: {  	_ =	shalt  }
0x41: {  	_ =	shalt  }
0x42: {  	_ =	shalt  }
0x43: {  	_ =	shalt  }
0x44: {  	_ =	shalt  }
0x45: {  	_ =	shalt  }
0x46: {  	_ =	shalt  }
0x47: {  	_ =	shalt  }
0x48: {  	_ =	shalt  }
0x49: {  	_ =	shalt  }
0x4a: {  	_ =	shalt  }
0x4b: {  	_ =	shalt  }
0x4c: {  	_ =	shalt  }
0x4d: {  	_ =	shalt  }
0x4e: {  	_ =	shalt  }
0x4f: {  	_ =	shalt  }
0x50: {  	_ =	shalt  }
0x51: {  	_ =	shalt  }
0x52: {  	_ =	shalt  }
0x53: {  	_ =	shalt  }
0x54: {  	_ =	shalt  }
0x55: {  	_ =	shalt  }
0x56: {  	_ =	shalt  }
0x57: {  	_ =	shalt  }
0x58: {  	_ =	shalt  }
0x59: {  	_ =	shalt  }
0x5a: {  	_ =	shalt  }
0x5b: {  	_ =	shalt  }
0x5c: {  	_ =	shalt  }
0x5d: {  	_ =	shalt  }
0x5e: {  	_ =	shalt  }
0x5f: {  	_ =	shalt  }
0x60: {  	_ =	shalt  }
0x61: {  	_ =	shalt  }
0x62: {  	_ =	shalt  }
0x63: {  	_ =	shalt  }
0x64: {  	_ =	shalt  }
0x65: {  	_ =	shalt  }
0x66: {  	_ =	shalt  }
0x67: {  	_ =	shalt  }
0x68: {  	_ =	shalt  }
0x69: {  	_ =	shalt  }
0x6a: {  	_ =	shalt  }
0x6b: {  	_ =	shalt  }
0x6c: {  	_ =	shalt  }
0x6d: {  	_ =	shalt  }
0x6e: {  	_ =	shalt  }
0x6f: {  	_ =	shalt  }
0x70: {  	_ =	shalt  }
0x71: {  	_ =	shalt  }
0x72: {  	_ =	shalt  }
0x73: {  	_ =	shalt  }
0x74: {  	_ =	shalt  }
0x75: {  	_ =	shalt  }
0x76: {  	_ =	shalt  }
0x77: {  	_ =	shalt  }
0x78: {  	_ =	shalt  }
0x79: {  	_ =	shalt  }
0x7a: {  	_ =	shalt  }
0x7b: {  	_ =	shalt  }
0x7c: {  	_ =	shalt  }
0x7d: {  	_ =	shalt  }
0x7e: {  	_ =	shalt  }
0x7f: {  	_ =	shalt  }
0x80: {  	_ =	shalt  }
0x81: {  	_ =	shalt  }
0x82: {  	_ =	shalt  }
0x83: {  	_ =	shalt  }
0x84: {  	_ =	shalt  }
0x85: {  	_ =	shalt  }
0x86: {  	_ =	shalt  }
0x87: {  	_ =	shalt  }
.Lfunc_end0:
.L_simem_size_0:
called_computation_lowered:
.L_overlay_start_0:
0x88: {  	s2 =	sld [smem:$0x3FD9]  }
0x89: {  	s3 =	sld [smem:$0x3FFE];
	_ =	sdelay $0x1  }
0x8a: {  	s1 =	srdreg.scid  }
0x8b: {  	s0 =	sand.u32 $0x1, s1  }
0x8c: {  	s15 =	sshll.u32 s0, $0xA;
	s2 =	sadd.s32 s3, s2  }
0x8d: {  	s2 =	sadd.s32 s2, s15  }
0x8e: {  	[smem:$0x3FC2] =	sst s2  }
0x8f: {  	_ = 	snop  }
0x90: {  	s2 =	sld [smem:$0x3FD0];
	_ =	sdelay $0x2  }
0x91: {  	s4 =	simm.s32 $0xA;
	s5 =	simm.s32 $0x10;
	s16 =	sld [smem:$0x3FC9]  }
0x92: {  	[smem:s5], [sflag:s4] =	dma.local [hbm:s2], $0x1  }
0x93: {  	_ =	swait.eq [sflag:s4], $0x1  }
0x94: {  	[sflag:s4] =	ssyncset.done $0x0  }
0x95: {  	s17 =	sld [smem:$0x11];
	[sflag:s4] =	ssyncadd.s32 $0xFFFFFFFF  }
0x96: {  	s18 =	sld [smem:$0x13];
	(tm) =	ssettm $0x1  }
0x97: {  	s19 =	sld [smem:$0x3FFB];
	_ =	sdelay $0x3  }
0x98: {  	_ =	strace s19  }
0x99: {  	s5 =	sld [smem:$0x3FFC];
	_ =	sdelay $0x3  }
0x9a: {  	_ =	strace s5  }
0x9b: {  	s5 =	sld [smem:$0x3FFD];
	_ =	sdelay $0x3  }
0x9c: {  	_ =	strace s5  }
0x9d: {  	_ =	strace $0x8FFFFFFF  }
0x9e: {  	s20 =	sld [smem:$0x3FDB];
	_ =	sdelay $0x1  }
0x9f: {  	s6 =	simm.s32 $_scs_section_size  }
0xa0: {  	s7 =	simm.s32 $_size__tile_overlayer_lowered;
	s8 =	simm.s32 $_tile_overlayer_lowered  }
0xa1: {  	s23 =	simm.s32 $0x1BFF;
	s22 =	sshll.u32 s8, $0x1;
	s5 =	sadd.s32 s6, s20  }
0xa2: {  	s9 =	simm.s32 $0x0;
	s21 =	sshll.u32 s7, $0x1;
	s7 =	sadd.s32 s22, s5  }
0xa3: {  	[timem:s9], [sflag:s23] =	dma.local [hbm:s7], s21  }
0xa4: {  	_ =	swait.ge [sflag:s23], s21  }
0xa5: {  	s6 =	ssub.s32 $0x0, s21;
	[sflag:s23] =	ssyncset.done $0x0  }
0xa6: {  	[sflag:s23] =	ssyncadd.s32 s6;
	_ =	sdelay $0x1  }
0xa7: {  	s24 =	simm.s32 $0x1B8B  }
0xa8: {  	_ =	swait.ge [sflag:s24], $0x1  }
0xa9: {  	[sflag:s24] =	ssyncset.done $0x0  }
0xaa: {  	s25 =	simm.s32 $0x1B8E;
	[sflag:s24] =	ssyncadd.s32 $0xFFFFFFFF  }
0xab: {  	s26 =	simm.s32 $execute0_lowered;
	[smem:$0x3FD2] =	sst s25  }
0xac: {  	s6 =	sshll.u32 s26, $0x1;
	_ =	strace $0x80000046;
	[dreg:$0x1] =	wrdreg $0xFFFFFFFF  }
0xad: {  	s28 =	simm.s32 $_size_execute0_lowered;
	s5 =	sadd.s32 s5, s6;
	[dreg:$0x0] =	wrdreg $0x0  }
0xae: {  	s6 =	sshll.u32 s28, $0x1;
	[dreg:$0x2] =	wrdreg s5  }
0xaf: {  	[dreg:$0x3] =	wrdreg s6  }
0xb0: {  	[dreg:$0x4] =	wrdreg $0xC0  }
0xb1: {  	_ =	task [dreg:s9], $0x5FFFF  }
0xb2: {  	[dreg:$0x1] =	wrdreg $0xFFFFFFFF  }
0xb3: {  	[dreg:$0x0] =	wrdreg $0x60  }
0xb4: {  	[dreg:$0x2] =	wrdreg s16  }
0xb5: {  	[dreg:$0x3] =	wrdreg s18  }
0xb6: {  	[dreg:$0x4] =	wrdreg s17  }
0xb7: {  	[dreg:$0x5] =	wrdreg $0x9  }
0xb8: {  	_ =	task.clear_ibuf [dreg:s9], $0x6FFFF;
	_ =	strace $0x90000046  }
0xb9: {  	s29 =	simm.s32 $0x9;
	_ =	strace $0x80000048  }
0xba: {  	_ =	swait.ge [sflag:s29], $0x1  }
0xbb: {  	[sflag:s29] =	ssyncadd.s32 $0xFFFFFFFF  }
0xbc: {  	_ =	strace $0x90000048  }
0xbd: {  	_ =	sfence  }
0xbe: {  	s30 =	sld [smem:$0x0];
	_ =	sdelay $0x2  }
0xbf: {  	s31 =	sshll.u32 s1, $0xD;
	s1 =	sshrl.u32 s1, $0x2  }
0xc0: {  	s3 =	sand.u32 $0x4000, s31;
	s1 =	sadd.s32 s1, s30  }
0xc1: {  	s0 =	sor.u32 s3, s0;
	s1 =	sshll.u32 s1, $0x11  }
0xc2: {  	s0 =	sor.u32 s1, s0  }
0xc3: {  	s0 =	sadd.s32 $0x8F2B, s0  }
0xc4: {  	[sflag:s0] =	ssyncadd.remote.s32 $0x1  }
0xc5: {  	_ =	sfence.sel $0xFFFF  }
0xc6: {  	[dreg:$0x0] =	wrdreg $0xFFFFFFFF;
	(pc) =	sbr.abs _section_cstart, $3  }
0xc7: {  	[dreg:$0x1] =	wrdreg $0xFFFFFFFF  }
0xc8: {  	_ =	task.clear_ibuf [dreg:s9], $0x2FFFF;
	_ =	strace $0x9FFFFFFF  }
0xc9: {  	(tm) =	ssettm $0x7FFFFFFF  }
tec
execute0_lowered:
.L_overlay_start_1:
0x0: {  	(tag) =	ssettag $0x1  }
0x1: {  	s1 =	srdreg.scid;
	s3 =	rddreg [dreg:$0x0]  }
0x2: {  	s0 =	stileid.u32;
	s5 =	rddreg [dreg:$0x1]  }
0x3: {  	s7 =	rddreg [dreg:$0x2];
	s2 =	simm.s32 $0x0;
	s10 =	simm.s32 $0x10000  }
0x4: {  	s11 =	simm.s32 $0x10080;
	s12 =	simm.s32 $0x0;
	s4 =	sand.u32 $0x1, s1  }
0x5: {  	s29 =	sshll.u32 s0, $0x1;
	s8 =	sshll.u32 s0, $0xE;
	s1 =	rddreg [dreg:$0x3]  }
0x6: {  	[smem:$0x7FF] =	sst s2;
	s6 =	sor.u32 s4, s29;
	s4 =	ssub.s32 $0x2, s4  }
0x7: {  	_ =	strace $0x80000047;
	s9 =	sshll.u32 s6, $0x4;
	s30 =	sshrl.u32 s4, $0x1  }
0x8: {  	s6 =	sshll.u32 s6, $0x1;
	s8 =	sor.u32 s9, s8;
	s31 =	ssub.s32 s4, s30  }
0x9: {  	s4 =	sadd.s32 s5, s6;
	s5 =	sadd.s32 s7, s6;
	s8 =	sand.u32 $0x30070, s8  }
0xa: {  	v0 =	vlaneseq.u32;
	s7 =	simm.s32 $0x80;
	s9 =	simm.s32 $0x1;
	s3 =	sadd.s32 s8, s3  }
0xb: {  	vm0 =	vcmask $0x300;
	vm1 =	vcmask $0x704;
	vm2 =	vcmask $0xB08;
	s6 =	smax.u32 s31, $0x1;
	s8 =	simm.s32 $0x400;
	s3 =	sadd.s32 $0x1C0000, s3  }
.LBB2_1:
0xc: {  	[tilespmem:s2], [sflag:$0x1] =	stream.strided.gather [hbm4b:s3+s7], $0x10000, s8, s7, $0x38;
	[tilespmem:$0x10100] =	vst v63  }
0xd: {  	_ =	swait.ge [sflag:s9], $0x10000  }
0xe: {  	[sflag:s9] =	ssyncset.done $0x0  }
0xf: {  	s15 =	simm.s32 $0x40;
	[sflag:s9] =	ssyncadd.s32 $0xFFFF0000  }
0x10: {  	v1 =	vld [tilespmem:s15+$0xFFFFFFC0];
	_ =	sdelay $0x1  }
0x11: {  	v2 =	vld [tilespmem:s15+$0xFFFFFFD0];
	_ =	sdelay $0x1  }
0x12: {  	v3 =	vimm.f32 $-Inf;
	v4 =	vld [tilespmem:s15+$0xFFFFFFE0]  }
0x13: {  	vm3 =	vgt.f32 v1, v3  }
0x14: {  	v1 =	vsel vm3, v1, v3;
	v3 =	vld [tilespmem:s15+$0xFFFFFFF0]  }
0x15: {  	vm4 =	vgt.f32 v2, v1  }
0x16: {  	v1 =	vsel vm4, v2, v1  }
0x17: {  	s13 =	simm.s32 $0x0;
	vm5 =	vgt.f32 v4, v1  }
0x18: {  	s28 =	simm.s32 $0x10;
	v6 =	vor.u32 s13, v0;
	v5 =	vld [tilespmem:s15+$0x0];
	v2 =	vimm.s32 $0x0;
	v4 =	vsel vm5, v4, v1  }
0x19: {  	s29 =	simm.s32 $0x20;
	v2 =	vsel vm3, v6, v2;
	v6 =	vor.u32 s28, v0;
	vm3 =	vgt.f32 v3, v4  }
0x1a: {  	s30 =	simm.s32 $0x30;
	v1 =	vld [tilespmem:s15+$0x10];
	v2 =	vsel vm4, v6, v2;
	v3 =	vsel vm3, v3, v4;
	v4 =	vor.u32 s29, v0  }
0x1b: {  	v2 =	vsel vm5, v4, v2;
	v4 =	vor.u32 s30, v0  }
0x1c: {  	v4 =	vsel vm3, v4, v2;
	v2 =	vld [tilespmem:s15+$0x20]  }
0x1d: {  	s31 =	simm.s32 $0x40;
	vm4 =	vgt.f32 v5, v3  }
0x1e: {  	s16 =	simm.s32 $0x50;
	v7 =	vor.u32 s31, v0;
	v6 =	vsel vm4, v5, v3;
	v5 =	vld [tilespmem:s15+$0x30]  }
0x1f: {  	s14 =	simm.s32 $0x0;
	s13 =	simm.s32 $0x70;
	s15 =	simm.s32 $0xC0;
	v3 =	vsel vm4, v7, v4;
	vm3 =	vgt.f32 v1, v6;
	v4 =	vor.u32 s16, v0  }
.LBB2_2:
0x20: {  	v7 =	vld [tilespmem:s15+$0xFFFFFFC0];
	s14 =	sadd.s32 $0x8, s14;
	v3 =	vsel vm3, v4, v3;
	v1 =	vsel vm3, v1, v6;
	s16 =	sadd.s32 $0xFFFFFFF0, s13  }
0x21: {  	p0 =	slt.u32 s14, $0xFF8;
	vm3 =	vgt.f32 v2, v1;
	v4 =	vor.u32 s16, v0  }
0x22: {  	v6 =	vld [tilespmem:s15+$0xFFFFFFD0];
	v3 =	vsel vm3, v4, v3;
	v1 =	vsel vm3, v2, v1  }
0x23: {  	v2 =	vor.u32 s13, v0;
	s13 =	sadd.s32 $0x80, s13;
	vm3 =	vgt.f32 v5, v1  }
0x24: {  	s16 =	sadd.s32 $0xFFFFFF90, s13;
	v4 =	vld [tilespmem:s15+$0xFFFFFFE0];
	v2 =	vsel vm3, v2, v3;
	v1 =	vsel vm3, v5, v1  }
0x25: {  	v3 =	vor.u32 s16, v0;
	vm3 =	vgt.f32 v7, v1  }
0x26: {  	s16 =	sadd.s32 $0xFFFFFFA0, s13;
	v2 =	vsel vm3, v3, v2;
	v1 =	vsel vm3, v7, v1;
	v3 =	vld [tilespmem:s15+$0xFFFFFFF0]  }
0x27: {  	v5 =	vor.u32 s16, v0;
	vm3 =	vgt.f32 v6, v1  }
0x28: {  	s16 =	sadd.s32 $0xFFFFFFB0, s13;
	v2 =	vsel vm3, v5, v2;
	v1 =	vsel vm3, v6, v1;
	v5 =	vld [tilespmem:s15+$0x0]  }
0x29: {  	v6 =	vor.u32 s16, v0;
	vm3 =	vgt.f32 v4, v1  }
0x2a: {  	s16 =	sadd.s32 $0xFFFFFFC0, s13;
	v2 =	vsel vm3, v6, v2;
	v4 =	vsel vm3, v4, v1;
	v1 =	vld [tilespmem:s15+$0x10]  }
.Ltmp0:
0x2b: {  	v6 =	vor.u32 s16, v0;
	vm3 =	vgt.f32 v3, v4;
	(pc) =	sbr.rel @p0 .LBB2_2-.Ltmp0, $4  }
0x2c: {  	s16 =	sadd.s32 $0xFFFFFFD0, s13;
	v6 =	vsel vm3, v6, v2;
	v4 =	vsel vm3, v3, v4;
	v2 =	vld [tilespmem:s15+$0x20]  }
0x2d: {  	v3 =	vor.u32 s16, v0;
	vm3 =	vgt.f32 v5, v4  }
0x2e: {  	s16 =	sadd.s32 $0xFFFFFFE0, s13;
	v3 =	vsel vm3, v3, v6;
	v6 =	vsel vm3, v5, v4;
	v5 =	vld [tilespmem:s15+$0x30]  }
0x2f: {  	v4 =	vor.u32 s16, v0;
	s15 =	sadd.s32 $0x80, s15;
	vm3 =	vgt.f32 v1, v6  }
0x30: {  	v1 =	vsel vm3, v1, v6  }
0x31: {  	vm5 =	vgt.f32 v2, v1  }
0x32: {  	v1 =	vsel vm5, v2, v1  }
0x33: {  	vm4 =	vgt.f32 v5, v1  }
0x34: {  	v2 =	vsel vm4, v5, v1  }
0x35: {  	(v2sf) =	vpush v2, $0x0  }
0x36: {  	(v2sf) =	vpush v2, $0x1  }
0x37: {  	(v2sf) =	vpush v2, $0x2  }
0x38: {  	(v2sf) =	vpush v2, $0x3  }
0x39: {  	(v2sf) =	vpush v2, $0x4  }
0x3a: {  	(v2sf) =	vpush v2, $0x5  }
0x3b: {  	(v2sf) =	vpush v2, $0x6  }
0x3c: {  	(v2sf) =	vpush v2, $0x7  }
0x3d: {  	(v2sf) =	vpush v2, $0x8  }
0x3e: {  	(v2sf) =	vpush v2, $0x9  }
0x3f: {  	(v2sf) =	vpush v2, $0xA  }
0x40: {  	(v2sf) =	vpush v2, $0xB  }
0x41: {  	(v2sf) =	vpush v2, $0xC  }
0x42: {  	(v2sf) =	vpush v2, $0xD  }
0x43: {  	(v2sf) =	vpush v2, $0xE  }
0x44: {  	s14 =	spop (v2sf);
	(v2sf) =	vpush v2, $0xF  }
0x45: {  	s15 =	spop (v2sf)  }
0x46: {  	s16 =	spop (v2sf);
	s14 =	smax.f32 s14, s15  }
0x47: {  	s30 =	spop (v2sf);
	s14 =	smax.f32 s14, s16  }
0x48: {  	s31 =	spop (v2sf);
	s14 =	smax.f32 s14, s30  }
0x49: {  	s17 =	spop (v2sf);
	s14 =	smax.f32 s14, s31  }
0x4a: {  	s18 =	spop (v2sf);
	s14 =	smax.f32 s14, s17  }
0x4b: {  	s19 =	spop (v2sf);
	s14 =	smax.f32 s14, s18  }
0x4c: {  	s20 =	spop (v2sf);
	s14 =	smax.f32 s14, s19  }
0x4d: {  	s21 =	spop (v2sf);
	s14 =	smax.f32 s14, s20  }
0x4e: {  	s22 =	spop (v2sf);
	s14 =	smax.f32 s14, s21  }
0x4f: {  	s23 =	spop (v2sf);
	s14 =	smax.f32 s14, s22  }
0x50: {  	s25 =	simm.s32 $0x40;
	s24 =	spop (v2sf);
	s14 =	smax.f32 s14, s23  }
0x51: {  	v5 =	vld [tilespmem:s25+$0xFFFFFFC0];
	s14 =	smax.f32 s14, s24;
	s26 =	spop (v2sf)  }
0x52: {  	s14 =	smax.f32 s14, s26;
	s28 =	spop (v2sf)  }
0x53: {  	v6 =	vld [tilespmem:s25+$0xFFFFFFD0];
	s14 =	smax.f32 s14, s28;
	s29 =	spop (v2sf)  }
0x54: {  	s14 =	smax.f32 s14, s29  }
0x55: {  	v7 =	vld [tilespmem:s25+$0xFFFFFFE0];
	v1 =	vmov s14  }
0x56: {  	v5 =	vsub.f32 v5, v1  }
0x57: {  	v8 =	vld [tilespmem:s25+$0xFFFFFFF0]  }
0x58: {  	v10 =	vsub.f32 v6, v1;
	v9 =	vmul.f32 $1.442695020e+00, v5  }
0x59: {  	v6 =	vld [tilespmem:s25+$0x0]  }
0x5a: {  	v7 =	vsub.f32 v7, v1;
	v11 =	vmul.f32 $1.442695020e+00, v10;
	(erf) = vpow2.f32 v9  }
0x5b: {  	v9 =	vld [tilespmem:s25+$0x10]  }
0x5c: {  	v8 =	vsub.f32 v8, v1;
	v12 =	vmul.f32 $1.442695020e+00, v7;
	(erf) = vpow2.f32 v11;
	v11 =	vld [tilespmem:s25+$0x20];
	_ =	sdelay $0x1  }
0x5d: {  	v13 =	vld [tilespmem:s25+$0x30];
	s30 =	sadd.s32 $0xFFFFFFF0, s13;
	v14 =	vmul.f32 $1.442695020e+00, v8;
	v15 =	vsub.f32 v6, v1;
	(erf) = vpow2.f32 v12  }
0x5e: {  	v3 =	vsel vm3, v4, v3;
	v4 =	vor.u32 s30, v0;
	s31 =	simm.s32 $0xC0  }
0x5f: {  	v12 =	vmul.f32 $1.442695020e+00, v15;
	(erf) = vpow2.f32 v14;
	v16 =	vsub.f32 v9, v1;
	v9 =	vld [tilespmem:s31+$0xFFFFFFC0]  }
0x60: {  	v3 =	vsel vm5, v4, v3;
	v6 =	vsub.f32 v11, v1  }
0x61: {  	v4 =	vor.u32 s13, v0;
	(erf) = vpow2.f32 v12;
	v12 =	vld [tilespmem:s31+$0xFFFFFFD0];
	v14 =	vmul.f32 $1.442695020e+00, v16  }
0x62: {  	v11 =	vsel vm4, v4, v3;
	v3 =	vsub.f32 v13, v1;
	v18 =	vmul.f32 $1.442695020e+00, v6;
	v17 =	vpop (erf)  }
0x63: {  	v13 =	vimm.f32 $0.0e+00;
	(erf) = vpow2.f32 v14;
	v14 =	vld [tilespmem:s31+$0xFFFFFFE0];
	v5 =	vmul.f32 v17, v5  }
0x64: {  	v19 =	vpop (erf);
	v4 =	vsub.f32 v9, v1;
	v9 =	vmul.f32 $1.442695020e+00, v3;
	v17 =	vadd.f32 v17, v13  }
0x65: {  	(erf) = vpow2.f32 v18;
	v18 =	vld [tilespmem:s31+$0xFFFFFFF0];
	v10 =	vmul.f32 v19, v10;
	v13 =	vadd.f32 v5, v13  }
0x66: {  	v20 =	vpop (erf);
	v21 =	vmul.f32 $1.442695020e+00, v4;
	v5 =	vsub.f32 v12, v1;
	(erf) = vpow2.f32 v9  }
0x67: {  	v9 =	vld [tilespmem:s31+$0x0];
	v12 =	vadd.f32 v19, v17;
	v10 =	vadd.f32 v10, v13;
	v13 =	vmul.f32 v20, v7  }
0x68: {  	v17 =	vpop (erf);
	v19 =	vmul.f32 $1.442695020e+00, v5;
	v7 =	vsub.f32 v14, v1;
	(erf) = vpow2.f32 v21  }
0x69: {  	v63 =	vld [tilespmem:s31+$0x10];
	v12 =	vadd.f32 v20, v12;
	v10 =	vadd.f32 v13, v10;
	v13 =	vmul.f32 v17, v8  }
0x6a: {  	v14 =	vpop (erf);
	v20 =	vmul.f32 $1.442695020e+00, v7;
	v8 =	vsub.f32 v18, v1;
	(erf) = vpow2.f32 v19  }
0x6b: {  	v12 =	vadd.f32 v17, v12;
	v18 =	vmul.f32 v14, v15;
	v10 =	vadd.f32 v13, v10;
	v13 =	vld [tilespmem:s31+$0x20]  }
0x6c: {  	v9 =	vsub.f32 v9, v1;
	v15 =	vpop (erf);
	v22 =	vmul.f32 $1.442695020e+00, v8;
	(erf) = vpow2.f32 v20  }
0x6d: {  	v17 =	vadd.f32 v14, v12;
	v12 =	vld [tilespmem:s31+$0x30];
	v19 =	vmul.f32 v15, v16;
	v18 =	vadd.f32 v18, v10  }
0x6e: {  	s13 =	simm.s32 $0x8;
	s14 =	simm.s32 $0x140;
	v14 =	vpop (erf);
	v16 =	vmul.f32 $1.442695020e+00, v9;
	v10 =	vsub.f32 v63, v1;
	(erf) = vpow2.f32 v22  }
.LBB2_4:
0x6f: {  	v20 =	vld [tilespmem:s14+$0xFFFFFFC0];
	v15 =	vadd.f32 v15, v17;
	v17 =	vadd.f32 v19, v18;
	v18 =	vmul.f32 v14, v6;
	v19 =	vpop (erf)  }
0x70: {  	s13 =	sadd.s32 $0x8, s13;
	v21 =	vmul.f32 $1.442695020e+00, v10;
	v6 =	vsub.f32 v13, v1;
	(erf) = vpow2.f32 v16  }
0x71: {  	p0 =	slt.u32 s13, $0xFF8;
	v13 =	vld [tilespmem:s14+$0xFFFFFFD0];
	v16 =	vpop (erf);
	v14 =	vadd.f32 v14, v15;
	v15 =	vadd.f32 v18, v17;
	v17 =	vmul.f32 v19, v3  }
0x72: {  	v18 =	vmul.f32 $1.442695020e+00, v6;
	v3 =	vsub.f32 v12, v1;
	(erf) = vpow2.f32 v21  }
0x73: {  	v21 =	vmul.f32 v16, v4;
	v12 =	vld [tilespmem:s14+$0xFFFFFFE0];
	v22 =	vpop (erf);
	v14 =	vadd.f32 v19, v14;
	v15 =	vadd.f32 v17, v15  }
0x74: {  	v4 =	vsub.f32 v20, v1;
	v17 =	vmul.f32 $1.442695020e+00, v3;
	(erf) = vpow2.f32 v18  }
0x75: {  	v18 =	vld [tilespmem:s14+$0xFFFFFFF0];
	v14 =	vadd.f32 v16, v14;
	v15 =	vadd.f32 v21, v15;
	v21 =	vmul.f32 v22, v5;
	v19 =	vpop (erf)  }
0x76: {  	v20 =	vmul.f32 $1.442695020e+00, v4;
	v5 =	vsub.f32 v13, v1;
	(erf) = vpow2.f32 v17  }
0x77: {  	v17 =	vld [tilespmem:s14+$0x0];
	v13 =	vadd.f32 v22, v14;
	v14 =	vadd.f32 v21, v15;
	v15 =	vmul.f32 v19, v7;
	v16 =	vpop (erf)  }
0x78: {  	v21 =	vmul.f32 $1.442695020e+00, v5;
	v7 =	vsub.f32 v12, v1;
	(erf) = vpow2.f32 v20  }
0x79: {  	v23 =	vmul.f32 v16, v8;
	v20 =	vld [tilespmem:s14+$0x10];
	v12 =	vadd.f32 v19, v13;
	v14 =	vadd.f32 v15, v14;
	v19 =	vpop (erf)  }
.Ltmp1:
0x7a: {  	v22 =	vmul.f32 $1.442695020e+00, v7;
	v8 =	vsub.f32 v18, v1;
	(erf) = vpow2.f32 v21;
	(pc) =	sbr.rel @p0 .LBB2_4-.Ltmp1, $4  }
0x7b: {  	v18 =	vmul.f32 v19, v9;
	v13 =	vld [tilespmem:s14+$0x20];
	v16 =	vadd.f32 v16, v12;
	v23 =	vadd.f32 v23, v14;
	v15 =	vpop (erf)  }
0x7c: {  	v21 =	vmul.f32 $1.442695020e+00, v8;
	v9 =	vsub.f32 v17, v1;
	(erf) = vpow2.f32 v22  }
0x7d: {  	v12 =	vld [tilespmem:s14+$0x30];
	v17 =	vadd.f32 v19, v16;
	v18 =	vadd.f32 v18, v23;
	v19 =	vmul.f32 v15, v10;
	v14 =	vpop (erf)  }
0x7e: {  	s14 =	sadd.s32 $0x80, s14;
	v16 =	vmul.f32 $1.442695020e+00, v9;
	v10 =	vsub.f32 v20, v1;
	(erf) = vpow2.f32 v21  }
0x7f: {  	vm3 =	veq.f32 v2, v1  }
0x80: {  	v2 =	vnsel vm3, $0x10000, v11  }
0x81: {  	(v2sf) =	vpush v2, $0x0  }
0x82: {  	(v2sf) =	vpush v2, $0x1;
	_ =	sdelay $0x1  }
0x83: {  	(v2sf) =	vpush v2, $0x2  }
0x84: {  	v43 =	vadd.f32 v15, v17  }
0x85: {  	v44 =	vadd.f32 v19, v18;
	(v2sf) =	vpush v2, $0x3  }
0x86: {  	v6 =	vmul.f32 v14, v6;
	v45 =	vmul.f32 $1.442695020e+00, v10;
	v13 =	vsub.f32 v13, v1  }
0x87: {  	v46 =	vpop (erf);
	(erf) = vpow2.f32 v16;
	v11 =	vadd.f32 v14, v43;
	(v2sf) =	vpush v2, $0x4  }
0x88: {  	v3 =	vmul.f32 v46, v3;
	v6 =	vadd.f32 v6, v44;
	v12 =	vsub.f32 v12, v1  }
0x89: {  	v47 =	vpop (erf);
	v48 =	vmul.f32 $1.442695020e+00, v13;
	v11 =	vadd.f32 v46, v11;
	(v2sf) =	vpush v2, $0x5  }
0x8a: {  	(erf) = vpow2.f32 v45;
	v4 =	vmul.f32 v47, v4;
	v3 =	vadd.f32 v3, v6  }
0x8b: {  	v49 =	vpop (erf);
	v50 =	vmul.f32 $1.442695020e+00, v12;
	v11 =	vadd.f32 v47, v11;
	(v2sf) =	vpush v2, $0x6  }
0x8c: {  	(erf) = vpow2.f32 v48;
	v51 =	vmul.f32 v49, v5;
	v3 =	vadd.f32 v4, v3  }
0x8d: {  	v52 =	vpop (erf);
	v6 =	vadd.f32 v49, v11;
	(v2sf) =	vpush v2, $0x7  }
0x8e: {  	(erf) = vpow2.f32 v50;
	v53 =	vmul.f32 v52, v7;
	v3 =	vadd.f32 v51, v3  }
0x8f: {  	v54 =	vpop (erf);
	v5 =	vadd.f32 v52, v6;
	s13 =	spop (v2sf)  }
0x90: {  	v55 =	vmul.f32 v54, v8;
	(v2sf) =	vpush v2, $0x8;
	v3 =	vadd.f32 v53, v3;
	s14 =	spop (v2sf)  }
0x91: {  	v56 =	vpop (erf);
	v5 =	vadd.f32 v54, v5;
	p0 =	slt.s32 s13, s14  }
0x92: {  	(v2sf) =	vpush v2, $0x9;
	v57 =	vmul.f32 v56, v9;
	v3 =	vadd.f32 v55, v3;
	s14 =	smov.u32 @p0 s13;
	s13 =	spop (v2sf)  }
0x93: {  	v58 =	vpop (erf);
	v5 =	vadd.f32 v56, v5;
	p0 =	slt.s32 s14, s13  }
0x94: {  	(v2sf) =	vpush v2, $0xA;
	v59 =	vmul.f32 v58, v10;
	v3 =	vadd.f32 v57, v3;
	s13 =	smov.u32 @p0 s14;
	s14 =	spop (v2sf)  }
0x95: {  	v60 =	vpop (erf);
	v5 =	vadd.f32 v58, v5;
	p0 =	slt.s32 s13, s14  }
0x96: {  	(v2sf) =	vpush v2, $0xB;
	v61 =	vmul.f32 v60, v13;
	v3 =	vadd.f32 v59, v3;
	s14 =	smov.u32 @p0 s13;
	s13 =	spop (v2sf)  }
0x97: {  	v62 =	vpop (erf);
	v5 =	vadd.f32 v60, v5;
	(v2sf) =	vpush v2, $0xC;
	p0 =	slt.s32 s14, s13  }
0x98: {  	v63 =	vmul.f32 v62, v12;
	v3 =	vadd.f32 v61, v3;
	s13 =	smov.u32 @p0 s14;
	s14 =	spop (v2sf);
	(v2sf) =	vpush v2, $0xD  }
0x99: {  	v5 =	vadd.f32 v62, v5;
	p0 =	slt.s32 s13, s14;
	(v2sf) =	vpush v2, $0xE  }
0x9a: {  	v3 =	vadd.f32 v63, v3;
	s14 =	smov.u32 @p0 s13;
	s13 =	spop (v2sf);
	(v2sf) =	vpush v2, $0xF  }
0x9b: {  	p0 =	slt.s32 s14, s13;
	(v2sf) =	vpush v5, $0x0  }
0x9c: {  	s13 =	smov.u32 @p0 s14;
	s14 =	spop (v2sf);
	(v2sf) =	vpush v3, $0x0  }
0x9d: {  	(v2sf) =	vpush v5, $0x1  }
0x9e: {  	p0 =	slt.s32 s13, s14;
	(v2sf) =	vpush v3, $0x1  }
0x9f: {  	s14 =	smov.u32 @p0 s13;
	s13 =	spop (v2sf);
	(v2sf) =	vpush v5, $0x2  }
0xa0: {  	p0 =	slt.s32 s14, s13;
	(v2sf) =	vpush v3, $0x2  }
0xa1: {  	s13 =	smov.u32 @p0 s14;
	s14 =	spop (v2sf);
	(v2sf) =	vpush v5, $0x3  }
0xa2: {  	p0 =	slt.s32 s13, s14;
	(v2sf) =	vpush v3, $0x3  }
0xa3: {  	s14 =	smov.u32 @p0 s13;
	s13 =	spop (v2sf);
	(v2sf) =	vpush v5, $0x4  }
0xa4: {  	p0 =	slt.s32 s14, s13;
	(v2sf) =	vpush v3, $0x4  }
0xa5: {  	s13 =	smov.u32 @p0 s14;
	s14 =	spop (v2sf);
	(v2sf) =	vpush v5, $0x5  }
0xa6: {  	p0 =	slt.s32 s13, s14;
	s15 =	spop (v2sf);
	(v2sf) =	vpush v3, $0x5  }
0xa7: {  	s14 =	smov.u32 @p0 s13;
	s16 =	spop (v2sf);
	(v2sf) =	vpush v5, $0x6  }
0xa8: {  	p0 =	slt.s32 s14, s15;
	s13 =	spop (v2sf);
	(v2sf) =	vpush v3, $0x6  }
0xa9: {  	s15 =	smov.u32 @p0 s14;
	s14 =	spop (v2sf);
	(v2sf) =	vpush v5, $0x7  }
0xaa: {  	s26 =	spop (v2sf);
	(v2sf) =	vpush v3, $0x7  }
0xab: {  	p0 =	slt.s32 s15, s16;
	s17 =	spop (v2sf);
	(v2sf) =	vpush v5, $0x8  }
0xac: {  	s16 =	smov.u32 @p0 s15;
	s28 =	spop (v2sf);
	(v2sf) =	vpush v3, $0x8  }
0xad: {  	p0 =	slt.s32 s16, s13;
	s15 =	sadd.f32 s28, s26;
	s29 =	spop (v2sf);
	(v2sf) =	vpush v5, $0x9  }
0xae: {  	s13 =	smov.u32 @p0 s16;
	s16 =	sadd.f32 s29, s17;
	s30 =	spop (v2sf);
	(v2sf) =	vpush v3, $0x9  }
0xaf: {  	s15 =	sadd.f32 s15, s30;
	s31 =	spop (v2sf);
	(v2sf) =	vpush v5, $0xA  }
0xb0: {  	s16 =	sadd.f32 s16, s31;
	s18 =	spop (v2sf);
	(v2sf) =	vpush v3, $0xA  }
0xb1: {  	s15 =	sadd.f32 s15, s18;
	s19 =	spop (v2sf);
	(v2sf) =	vpush v5, $0xB  }
0xb2: {  	s16 =	sadd.f32 s16, s19;
	s20 =	spop (v2sf);
	(v2sf) =	vpush v3, $0xB  }
0xb3: {  	s15 =	sadd.f32 s15, s20;
	s21 =	spop (v2sf);
	(v2sf) =	vpush v5, $0xC  }
0xb4: {  	s16 =	sadd.f32 s16, s21;
	s22 =	spop (v2sf);
	(v2sf) =	vpush v3, $0xC  }
0xb5: {  	s15 =	sadd.f32 s15, s22;
	s23 =	spop (v2sf);
	(v2sf) =	vpush v5, $0xD  }
0xb6: {  	s16 =	sadd.f32 s16, s23;
	s24 =	spop (v2sf);
	(v2sf) =	vpush v3, $0xD  }
0xb7: {  	s15 =	sadd.f32 s15, s24;
	s25 =	spop (v2sf);
	(v2sf) =	vpush v5, $0xE  }
0xb8: {  	s16 =	sadd.f32 s16, s25;
	s26 =	spop (v2sf);
	(v2sf) =	vpush v3, $0xE  }
0xb9: {  	s15 =	sadd.f32 s15, s26;
	s28 =	spop (v2sf);
	(v2sf) =	vpush v5, $0xF  }
0xba: {  	s16 =	sadd.f32 s16, s28;
	s29 =	spop (v2sf);
	(v2sf) =	vpush v3, $0xF  }
0xbb: {  	s15 =	sadd.f32 s15, s29;
	s30 =	spop (v2sf)  }
0xbc: {  	s16 =	sadd.f32 s16, s30;
	s31 =	spop (v2sf)  }
0xbd: {  	s15 =	sadd.f32 s15, s31;
	s18 =	spop (v2sf)  }
0xbe: {  	s16 =	sadd.f32 s16, s18;
	s19 =	spop (v2sf)  }
0xbf: {  	s15 =	sadd.f32 s15, s19;
	s20 =	spop (v2sf)  }
0xc0: {  	s16 =	sadd.f32 s16, s20;
	s21 =	spop (v2sf)  }
0xc1: {  	s15 =	sadd.f32 s15, s21;
	s22 =	spop (v2sf)  }
0xc2: {  	s16 =	sadd.f32 s16, s22;
	s23 =	spop (v2sf)  }
0xc3: {  	s15 =	sadd.f32 s15, s23;
	s24 =	spop (v2sf)  }
0xc4: {  	s16 =	sadd.f32 s16, s24;
	s25 =	spop (v2sf)  }
0xc5: {  	s15 =	sadd.f32 s15, s25;
	s26 =	spop (v2sf)  }
0xc6: {  	s16 =	sadd.f32 s16, s26;
	s28 =	spop (v2sf)  }
0xc7: {  	s15 =	sadd.f32 s15, s28;
	s29 =	spop (v2sf)  }
0xc8: {  	s16 =	sadd.f32 s16, s29;
	s30 =	spop (v2sf)  }
0xc9: {  	s15 =	sadd.f32 s15, s30;
	s31 =	spop (v2sf)  }
0xca: {  	v1 =	vnsel vm0, $0x0, v1;
	p0 =	slt.s32 s13, s14;
	s16 =	sadd.f32 s16, s31  }
0xcb: {  	s14 =	smov.u32 @p0 s13;
	v1 =	vsel vm1, s15, v1  }
0xcc: {  	v2 =	vmov s14;
	v1 =	vsel vm2, s16, v1  }
0xcd: {  	[tilespmem:$0x10000] =	vst v1;
	v1 =	vnsel vm0, $0x0, v2  }
0xce: {  	[tilespmem:$0x10080] =	vst v1  }
0xcf: {  	[hbm4b:s4+s2] =	stream.linear.scatter [tilespmem:s10], [sflag:$0x1], $0x10, $0x38;
	[tilespmem:$0x10100] =	vst v63  }
0xd0: {  	s12 =	sadd.s32 $0x1, s12;
	_ =	swait.ge [sflag:s9], $0x10  }
0xd1: {  	p0 =	sne.s32 s12, s6;
	[sflag:s9] =	ssyncset.done $0x0  }
.Ltmp2:
0xd2: {  	[sflag:s9] =	ssyncadd.s32 $0xFFFFFFF0;
	(pc) =	sbr.rel @p0 .LBB2_1-.Ltmp2, $4  }
0xd3: {  	[hbm4b:s5+s2] =	stream.linear.scatter [tilespmem:s11], [sflag:$0x1], $0x10, $0x38;
	[tilespmem:$0x10100] =	vst v63  }
0xd4: {  	_ =	swait.ge [sflag:s9], $0x10  }
0xd5: {  	[sflag:s9] =	ssyncset.done $0x0  }
0xd6: {  	[sflag:s9] =	ssyncadd.s32 $0xFFFFFFF0  }
0xd7: {  	_ =	sfence.sel $0x180000  }
0xd8: {  	[bflag:$0x0] =	sbarrier.arrive $0xFFFF  }
0xd9: {  	p0 =	sne.s32 s0, $0x0;
	_ =	strace $0x90000047  }
0xda: {  	s0 =	sadd.s32 @!p0 $0x100000, s1;
	[bflag:$0x2] =	sbarrier.arrive $0xFFFF  }
0xdb: {  	[sflag:s0] =	ssyncadd.tile.s32 @!p0 $0x1;
	_ =	shalt  }
.Lfunc_end2:
_tile_overlayer_lowered:
.L_overlay_start_2:
0xdc: {  	(tag) =	ssettag $0x2  }
0xdd: {  	s0 =	rddreg [dreg:$0x0];
	s2 =	stileid.u32  }
0xde: {  	s1 =	rddreg [dreg:$0x1];
	p0 =	sne.s32 s2, $0x0  }
0xdf: {  	s3 =	rddreg [dreg:$0x2];
	[bflag:$0x3] =	sbarrier.arrive $0xFFFF;
	s2 =	simm.s32 @!p0 $0x1C01  }
0xe0: {  	[timem:s3], [sflag:s2] =	dma.local @!p0 [hbm:s0], s1  }
0xe1: {  	s0 =	simm.s32 @!p0 $0x1  }
0xe2: {  	_ =	swait.ge @!p0 [sflag:s0], s1  }
0xe3: {  	s1 =	ssub.s32 @!p0 $0x0, s1;
	[sflag:s0] =	ssyncset.done @!p0 $0x0  }
0xe4: {  	[sflag:s0] =	ssyncadd.s32 @!p0 s1  }
0xe5: {  	[bflag:$0x3] =	sbarrier.arrive $0xFFFF  }
0xe6: {  	_ =	shalt  }

</sc_bundles>
